<compile_context>
chip_gen: v7x
topology: tpu7x:2x2x1
jax: 0.10.2.dev20260603
libtpu: 0.0.44.dev20260713+nightly
codegen_flags: <defaults>
</compile_context>

<pallas_src>
import functools

import jax
import jax.numpy as jnp
from jax import lax
from jax.experimental import pallas as pl
from jax.experimental.pallas import tpu as pltpu
from jax.experimental.pallas import tpu_sc as plsc

N = 10000
E = 320000
D = 128
G = 64

NC = 2
NS = 16
NW = NC * NS
EPT = E // NW
CH = 128
NCH = 79
EPT_PAD = NCH * CH
ZROWS = 632
N_PAD = ZROWS * NS
OROWS = 632
OTAIL = N - 15 * OROWS

BN = 2000
GRID = N // BN


def _sc_aggregate(h, srcp, dstp, zeros):
    mesh = plsc.VectorSubcoreMesh(core_axis_name="c", subcore_axis_name="s")

    @functools.partial(
        pl.kernel,
        out_type=jax.ShapeDtypeStruct((NC, N, D), jnp.float32),
        mesh=mesh,
        scratch_types=[
            pltpu.VMEM((NCH, CH), jnp.int32),
            pltpu.VMEM((NCH, CH), jnp.int32),
            pltpu.VMEM((CH, D), jnp.float32),
            pltpu.VMEM_SHARED((N_PAD, D), jnp.float32),
            pltpu.SemaphoreType.DMA,
        ],
    )
    def agg_kernel(h_hbm, srcp_hbm, dstp_hbm, zeros_hbm, out_hbm,
                   src_v, dst_v, rows_v, acc_sh, sem):
        c = lax.axis_index("c")
        s = lax.axis_index("s")
        t = c * NS + s
        pltpu.sync_copy(zeros_hbm.at[pl.ds(s * ZROWS, ZROWS)],
                        acc_sh.at[pl.ds(s * ZROWS, ZROWS)])
        pltpu.sync_copy(srcp_hbm.at[t], src_v)
        pltpu.sync_copy(dstp_hbm.at[t], dst_v)
        plsc.subcore_barrier()

        def body(j, carry):
            pltpu.async_copy(h_hbm.at[src_v.at[j]], rows_v, sem).wait()
            pltpu.sync_copy(rows_v, acc_sh.at[dst_v.at[j]], add=True)
            return carry

        lax.fori_loop(0, NCH, body, 0)
        plsc.subcore_barrier()

        @pl.when(s < NS - 1)
        def _copy_full():
            pltpu.sync_copy(acc_sh.at[pl.ds(s * OROWS, OROWS)],
                            out_hbm.at[c, pl.ds(s * OROWS, OROWS)])

        @pl.when(s == NS - 1)
        def _copy_tail():
            pltpu.sync_copy(acc_sh.at[pl.ds((NS - 1) * OROWS, OTAIL)],
                            out_hbm.at[c, pl.ds((NS - 1) * OROWS, OTAIL)])

    return agg_kernel(h, srcp, dstp, zeros)


def _leaky(x):
    return jnp.where(x >= 0, x, 0.01 * x)


def _tc_mlp(h, agg, W1, b1, W2, b2, g, be, do_ln):

    def body(x_ref, a_ref, W1_ref, b1_ref, W2_ref, b2_ref, g_ref, be_ref, o_ref):
        t = x_ref[...] + a_ref[0] + a_ref[1]
        u = jnp.dot(t, W1_ref[...], preferred_element_type=jnp.float32) + b1_ref[...]
        u = _leaky(u)
        v = jnp.dot(u, W2_ref[...], preferred_element_type=jnp.float32) + b2_ref[...]
        if do_ln:
            v = _leaky(v)
            m = jnp.mean(v, axis=1, keepdims=True)
            var = jnp.mean((v - m) * (v - m), axis=1, keepdims=True)
            v = (v - m) * lax.rsqrt(var + 1e-5) * g_ref[...] + be_ref[...]
        o_ref[...] = v

    full = lambda i: (0, 0)
    return pl.pallas_call(
        body,
        grid=(GRID,),
        in_specs=[
            pl.BlockSpec((BN, D), lambda i: (i, 0)),
            pl.BlockSpec((NC, BN, D), lambda i: (0, i, 0)),
            pl.BlockSpec((D, D), full),
            pl.BlockSpec((1, D), full),
            pl.BlockSpec((D, D), full),
            pl.BlockSpec((1, D), full),
            pl.BlockSpec((1, D), full),
            pl.BlockSpec((1, D), full),
        ],
        out_specs=pl.BlockSpec((BN, D), lambda i: (i, 0)),
        out_shape=jax.ShapeDtypeStruct((N, D), jnp.float32),
    )(h, agg, W1, b1.reshape(1, D), W2, b2.reshape(1, D),
      g.reshape(1, D), be.reshape(1, D))


def _tc_mlp_pool(h, agg, W1, b1, W2, b2, batch2, Wp1, bp1, Wp2, bp2):

    def body(x_ref, a_ref, W1_ref, b1_ref, W2_ref, b2_ref, b_ref,
             Wp1_ref, bp1_ref, Wp2_ref, bp2_ref, e_ref, o_ref, acc_s, acc_c):
        i = pl.program_id(0)

        @pl.when(i == 0)
        def _init():
            acc_s[...] = jnp.zeros_like(acc_s)
            acc_c[...] = jnp.zeros_like(acc_c)

        t = x_ref[...] + a_ref[0] + a_ref[1]
        u = jnp.dot(t, W1_ref[...], preferred_element_type=jnp.float32) + b1_ref[...]
        u = _leaky(u)
        v = jnp.dot(u, W2_ref[...], preferred_element_type=jnp.float32) + b2_ref[...]
        e_ref[...] = v
        hp = _leaky(v)
        gids = b_ref[...]
        mask = (gids == lax.broadcasted_iota(jnp.int32, (1, G), 1)
                ).astype(jnp.float32)
        dn = (((0,), (0,)), ((), ()))
        acc_s[...] += lax.dot_general(mask, hp, dn,
                                      preferred_element_type=jnp.float32)
        acc_c[...] += lax.dot_general(mask, jnp.ones_like(hp), dn,
                                      preferred_element_type=jnp.float32)

        @pl.when(i == GRID - 1)
        def _fin():
            pooled = acc_s[...] / jnp.maximum(acc_c[...], 1.0)
            o = jnp.dot(pooled, Wp1_ref[...],
                        preferred_element_type=jnp.float32) + bp1_ref[...]
            o = jnp.dot(o, Wp2_ref[...],
                        preferred_element_type=jnp.float32) + bp2_ref[...]
            mx = jnp.max(o, axis=1, keepdims=True)
            lse = jnp.log(jnp.sum(jnp.exp(o - mx), axis=1, keepdims=True))
            o_ref[...] = o - mx - lse

    full = lambda i: (0, 0)
    return pl.pallas_call(
        body,
        grid=(GRID,),
        in_specs=[
            pl.BlockSpec((BN, D), lambda i: (i, 0)),
            pl.BlockSpec((NC, BN, D), lambda i: (0, i, 0)),
            pl.BlockSpec((D, D), full),
            pl.BlockSpec((1, D), full),
            pl.BlockSpec((D, D), full),
            pl.BlockSpec((1, D), full),
            pl.BlockSpec((BN, 1), lambda i: (i, 0)),
            pl.BlockSpec((D, D), full),
            pl.BlockSpec((1, D), full),
            pl.BlockSpec((D, D), full),
            pl.BlockSpec((1, D), full),
        ],
        out_specs=[
            pl.BlockSpec((BN, D), lambda i: (i, 0)),
            pl.BlockSpec((G, D), full),
        ],
        out_shape=[
            jax.ShapeDtypeStruct((N, D), jnp.float32),
            jax.ShapeDtypeStruct((G, D), jnp.float32),
        ],
        scratch_shapes=[
            pltpu.VMEM((G, D), jnp.float32),
            pltpu.VMEM((G, D), jnp.float32),
        ],
    )(h, agg, W1, b1.reshape(1, D), W2, b2.reshape(1, D), batch2,
      Wp1, bp1.reshape(1, D), Wp2, bp2.reshape(1, D))


def kernel(x, edge_index, batch,
           W1_0, b1_0, W2_0, b2_0,
           W1_1, b1_1, W2_1, b2_1,
           W1_2, b1_2, W2_2, b2_2,
           g0, be0, g1, be1,
           Wp1, bp1, Wp2, bp2):
    src = edge_index[0]
    dst = edge_index[1]
    pad = EPT_PAD - EPT
    srcp = jnp.pad(src.reshape(NW, EPT), ((0, 0), (0, pad))
                   ).reshape(NW, NCH, CH)
    dummy = (N + jnp.arange(NW, dtype=jnp.int32) % (N_PAD - N))[:, None]
    dstp = jnp.concatenate(
        [dst.reshape(NW, EPT), jnp.broadcast_to(dummy, (NW, pad))],
        axis=1).reshape(NW, NCH, CH)
    zeros = jnp.zeros((N_PAD, D), jnp.float32)
    batch2 = batch.reshape(N, 1)

    convs = [(W1_0, b1_0, W2_0, b2_0), (W1_1, b1_1, W2_1, b2_1)]
    lns = [(g0, be0), (g1, be1)]

    h = x
    for i in range(2):
        agg = _sc_aggregate(h, srcp, dstp, zeros)
        W1, b1, W2, b2 = convs[i]
        g, be = lns[i]
        h = _tc_mlp(h, agg, W1, b1, W2, b2, g, be, do_ln=True)
    agg = _sc_aggregate(h, srcp, dstp, zeros)
    emb, logp = _tc_mlp_pool(h, agg, W1_2, b1_2, W2_2, b2_2, batch2,
                             Wp1, bp1, Wp2, bp2)
    return (emb, logp)

# --- scband reference (transcript-rebuilt; emitter-appended) ---
"""Pipeline reference for scband-gnnstack-6622839570655 (READ-ONLY COPY).

The authoritative reference and input builder live on the scoring server;
editing this copy changes nothing except your own understanding.
"""

import jax, jax.numpy as jnp
import numpy as np

N = 10000
E = 320000
D = 128
H = 128
OUT = 128
G = 64

def setup_inputs(seed: int = 0) -> dict:
    key = jax.random.key(seed)
    ks = jax.random.split(key, 32)
    inp = {}
    inp['x'] = jax.random.normal(ks[0], (N, D), dtype=jnp.float32)
    inp['edge_index'] = jax.random.randint(ks[1], (2, E), 0, N, dtype=jnp.int32)
    inp['batch'] = jnp.sort(jax.random.randint(ks[2], (N,), 0, G, dtype=jnp.int32))
    s = 0.05
    # GIN conv 0: MLP(Linear(D,H), LeakyReLU, Linear(H,H))
    inp['W1_0'] = jax.random.normal(ks[3], (D, H), dtype=jnp.float32) * s
    inp['b1_0'] = jnp.zeros((H,), dtype=jnp.float32)
    inp['W2_0'] = jax.random.normal(ks[4], (H, H), dtype=jnp.float32) * s
    inp['b2_0'] = jnp.zeros((H,), dtype=jnp.float32)
    # GIN conv 1
    inp['W1_1'] = jax.random.normal(ks[5], (H, H), dtype=jnp.float32) * s
    inp['b1_1'] = jnp.zeros((H,), dtype=jnp.float32)
    inp['W2_1'] = jax.random.normal(ks[6], (H, H), dtype=jnp.float32) * s
    inp['b2_1'] = jnp.zeros((H,), dtype=jnp.float32)
    # GIN conv 2
    inp['W1_2'] = jax.random.normal(ks[7], (H, H), dtype=jnp.float32) * s
    inp['b1_2'] = jnp.zeros((H,), dtype=jnp.float32)
    inp['W2_2'] = jax.random.normal(ks[8], (H, H), dtype=jnp.float32) * s
    inp['b2_2'] = jnp.zeros((H,), dtype=jnp.float32)
    # LayerNorms (applied after layers 0 and 1)
    inp['g0'] = jnp.ones((H,), dtype=jnp.float32)
    inp['be0'] = jnp.zeros((H,), dtype=jnp.float32)
    inp['g1'] = jnp.ones((H,), dtype=jnp.float32)
    inp['be1'] = jnp.zeros((H,), dtype=jnp.float32)
    # post_mp: Linear(H,H) -> Dropout -> Linear(H,OUT)
    inp['Wp1'] = jax.random.normal(ks[9], (H, H), dtype=jnp.float32) * s
    inp['bp1'] = jnp.zeros((H,), dtype=jnp.float32)
    inp['Wp2'] = jax.random.normal(ks[10], (H, OUT), dtype=jnp.float32) * s
    inp['bp2'] = jnp.zeros((OUT,), dtype=jnp.float32)
    return inp


def _gin_conv(x, edge_index, W1, b1, W2, b2):
    # GINConv with eps=0: MLP(x + sum_{j in N(i)} x_j)
    src = edge_index[0]
    dst = edge_index[1]
    msgs = jnp.take(x, src, axis=0)
    agg = jnp.zeros_like(x).at[dst].add(msgs)
    h = x + agg
    h = h @ W1 + b1
    h = jax.nn.leaky_relu(h, negative_slope=0.01)
    h = h @ W2 + b2
    return h


def _layer_norm(x, g, b):
    m = jnp.mean(x, axis=-1, keepdims=True)
    v = jnp.var(x, axis=-1, keepdims=True)
    return (x - m) / jnp.sqrt(v + 1e-5) * g + b


def reference(x, edge_index, batch,
              W1_0, b1_0, W2_0, b2_0,
              W1_1, b1_1, W2_1, b2_1,
              W1_2, b1_2, W2_2, b2_2,
              g0, be0, g1, be1,
              Wp1, bp1, Wp2, bp2):
    convs = [(W1_0, b1_0, W2_0, b2_0), (W1_1, b1_1, W2_1, b2_1), (W1_2, b1_2, W2_2, b2_2)]
    lns = [(g0, be0), (g1, be1)]
    h = x
    emb = h
    for i in range(3):
        h = _gin_conv(h, edge_index, *convs[i])
        emb = h
        h = jax.nn.leaky_relu(h, negative_slope=0.01)
        # dropout is identity in eval mode
        if i != 2:
            h = _layer_norm(h, *lns[i])
    # global_mean_pool over graph ids
    sums = jax.ops.segment_sum(h, batch, num_segments=G)
    counts = jax.ops.segment_sum(jnp.ones((h.shape[0], 1), h.dtype), batch, num_segments=G)
    pooled = sums / jnp.maximum(counts, 1.0)
    o = pooled @ Wp1 + bp1
    o = o @ Wp2 + bp2
    logp = jax.nn.log_softmax(o, axis=1)
    return (emb, logp)

if __name__ == "__main__":
    import jax
    _d = setup_inputs()
    print(jax.jit(kernel)(*tuple(_d.values())))

</pallas_src>

<mosaic_0001>
#map = affine_map<(d0, d1) -> (0, 0)>
#map1 = affine_map<(d0, d1) -> (0, 0, 0)>
module attributes {stable_mosaic.version = 14 : i64} {
  func.func @agg_kernel(%arg0: i32, %arg1: i32, %arg2: memref<10000x128xf32, #tpu.memory_space<hbm>>, %arg3: memref<32x79x128xi32, #tpu.memory_space<hbm>>, %arg4: memref<32x79x128xi32, #tpu.memory_space<hbm>>, %arg5: memref<10112x128xf32, #tpu.memory_space<hbm>>, %arg6: memref<2x10000x128xf32, #tpu.memory_space<hbm>>, %arg7: memref<79x128xi32, #tpu.memory_space<vmem>>, %arg8: memref<79x128xi32, #tpu.memory_space<vmem>>, %arg9: memref<128x128xf32, #tpu.memory_space<vmem>>, %arg10: memref<10112x128xf32, #tpu.memory_space<vmem_shared>>, %arg11: memref<!tpu.dma_semaphore, #tpu.memory_space<semaphore_mem>>) attributes {dimension_semantics = [#tpu.dimension_semantics<core_parallel>, #tpu.dimension_semantics<subcore_parallel>], iteration_bounds = array<i64: 2, 16>, scalar_prefetch = 0 : i64, scratch_operands = 5 : i64, tpu.core_type = #tpu.core_type<sc_vector_subcore>, window_params = [{transform_indices = #map}, {transform_indices = #map1}, {transform_indices = #map1}, {transform_indices = #map}, {transform_indices = #map1}]} {
    %mul3A = arith.constant 16 : i32
    %mul3A_0 = arith.muli %arg0, %mul3A : i32
    %add3A = arith.addi %mul3A_0, %arg1 : i32
    %mul3A_1 = arith.constant 632 : i32
    %mul3A_2 = arith.muli %arg1, %mul3A_1 : i32
    %mul3A_3 = arith.constant 632 : i32
    %mul3A_4 = arith.muli %arg1, %mul3A_3 : i32
    "tpu.region"() ({
      %run_scoped3A = tpu.sem_alloc : memref<!tpu.dma_semaphore, #tpu.memory_space<semaphore_mem>>
      %dma_start3A = arith.constant 0 : i32
      %dma_start3A_17 = tpu.memref_slice %arg10[%mul3A_4, %dma_start3A] : memref<10112x128xf32, #tpu.memory_space<vmem_shared>> -> memref<632x128xf32, #tpu.memory_space<vmem_shared>>
      %dma_start3A_18 = arith.constant 0 : i32
      %dma_start3A_19 = tpu.memref_slice %arg5[%mul3A_2, %dma_start3A_18] : memref<10112x128xf32, #tpu.memory_space<hbm>> -> memref<632x128xf32, #tpu.memory_space<hbm>>
      tpu.enqueue_dma source(%dma_start3A_19 : memref<632x128xf32, #tpu.memory_space<hbm>>) target(%dma_start3A_17 : memref<632x128xf32, #tpu.memory_space<vmem_shared>>) target_semaphore(%run_scoped3A : memref<!tpu.dma_semaphore, #tpu.memory_space<semaphore_mem>>)
      %dma_wait3A = arith.constant 0 : i32
      %dma_wait3A_20 = tpu.memref_slice %arg10[%mul3A_4, %dma_wait3A] : memref<10112x128xf32, #tpu.memory_space<vmem_shared>> -> memref<632x128xf32, #tpu.memory_space<vmem_shared>>
      %dma_wait3A_21 = arith.constant 0 : i32
      %dma_wait3A_22 = tpu.memref_slice %arg5[%mul3A_2, %dma_wait3A_21] : memref<10112x128xf32, #tpu.memory_space<hbm>> -> memref<632x128xf32, #tpu.memory_space<hbm>>
      tpu.wait_dma2 semaphore(%run_scoped3A : memref<!tpu.dma_semaphore, #tpu.memory_space<semaphore_mem>>) src(%dma_wait3A_22 : memref<632x128xf32, #tpu.memory_space<hbm>>) dst(%dma_wait3A_20 : memref<632x128xf32, #tpu.memory_space<vmem_shared>>)
      tpu.yield
    }) : () -> ()
    "tpu.region"() ({
      %run_scoped3A = tpu.sem_alloc : memref<!tpu.dma_semaphore, #tpu.memory_space<semaphore_mem>>
      %dma_start3A = arith.constant 0 : i32
      %dma_start3A_17 = arith.constant 0 : i32
      %dma_start3A_18 = tpu.memref_slice %arg3[%add3A, %dma_start3A, %dma_start3A_17] : memref<32x79x128xi32, #tpu.memory_space<hbm>> -> memref<1x79x128xi32, #tpu.memory_space<hbm>>
      %dma_start3A_19 = tpu.memref_squeeze %dma_start3A_18 : memref<1x79x128xi32, #tpu.memory_space<hbm>> -> memref<79x128xi32, #tpu.memory_space<hbm>>
      %dma_start3A_20 = arith.constant 0 : i32
      %dma_start3A_21 = arith.constant 0 : i32
      %dma_start3A_22 = tpu.memref_slice %arg3[%add3A, %dma_start3A_20, %dma_start3A_21] : memref<32x79x128xi32, #tpu.memory_space<hbm>> -> memref<1x79x128xi32, #tpu.memory_space<hbm>>
      %dma_start3A_23 = tpu.memref_squeeze %dma_start3A_22 : memref<1x79x128xi32, #tpu.memory_space<hbm>> -> memref<79x128xi32, #tpu.memory_space<hbm>>
      tpu.enqueue_dma source(%dma_start3A_23 : memref<79x128xi32, #tpu.memory_space<hbm>>) target(%arg7 : memref<79x128xi32, #tpu.memory_space<vmem>>) target_semaphore(%run_scoped3A : memref<!tpu.dma_semaphore, #tpu.memory_space<semaphore_mem>>)
      %dma_wait3A = arith.constant 0 : i32
      %dma_wait3A_24 = arith.constant 0 : i32
      %dma_wait3A_25 = tpu.memref_slice %arg3[%add3A, %dma_wait3A, %dma_wait3A_24] : memref<32x79x128xi32, #tpu.memory_space<hbm>> -> memref<1x79x128xi32, #tpu.memory_space<hbm>>
      %dma_wait3A_26 = tpu.memref_squeeze %dma_wait3A_25 : memref<1x79x128xi32, #tpu.memory_space<hbm>> -> memref<79x128xi32, #tpu.memory_space<hbm>>
      %dma_wait3A_27 = arith.constant 0 : i32
      %dma_wait3A_28 = arith.constant 0 : i32
      %dma_wait3A_29 = tpu.memref_slice %arg3[%add3A, %dma_wait3A_27, %dma_wait3A_28] : memref<32x79x128xi32, #tpu.memory_space<hbm>> -> memref<1x79x128xi32, #tpu.memory_space<hbm>>
      %dma_wait3A_30 = tpu.memref_squeeze %dma_wait3A_29 : memref<1x79x128xi32, #tpu.memory_space<hbm>> -> memref<79x128xi32, #tpu.memory_space<hbm>>
      tpu.wait_dma2 semaphore(%run_scoped3A : memref<!tpu.dma_semaphore, #tpu.memory_space<semaphore_mem>>) src(%dma_wait3A_30 : memref<79x128xi32, #tpu.memory_space<hbm>>) dst(%arg7 : memref<79x128xi32, #tpu.memory_space<vmem>>)
      tpu.yield
    }) : () -> ()
    "tpu.region"() ({
      %run_scoped3A = tpu.sem_alloc : memref<!tpu.dma_semaphore, #tpu.memory_space<semaphore_mem>>
      %dma_start3A = arith.constant 0 : i32
      %dma_start3A_17 = arith.constant 0 : i32
      %dma_start3A_18 = tpu.memref_slice %arg4[%add3A, %dma_start3A, %dma_start3A_17] : memref<32x79x128xi32, #tpu.memory_space<hbm>> -> memref<1x79x128xi32, #tpu.memory_space<hbm>>
      %dma_start3A_19 = tpu.memref_squeeze %dma_start3A_18 : memref<1x79x128xi32, #tpu.memory_space<hbm>> -> memref<79x128xi32, #tpu.memory_space<hbm>>
      %dma_start3A_20 = arith.constant 0 : i32
      %dma_start3A_21 = arith.constant 0 : i32
      %dma_start3A_22 = tpu.memref_slice %arg4[%add3A, %dma_start3A_20, %dma_start3A_21] : memref<32x79x128xi32, #tpu.memory_space<hbm>> -> memref<1x79x128xi32, #tpu.memory_space<hbm>>
      %dma_start3A_23 = tpu.memref_squeeze %dma_start3A_22 : memref<1x79x128xi32, #tpu.memory_space<hbm>> -> memref<79x128xi32, #tpu.memory_space<hbm>>
      tpu.enqueue_dma source(%dma_start3A_23 : memref<79x128xi32, #tpu.memory_space<hbm>>) target(%arg8 : memref<79x128xi32, #tpu.memory_space<vmem>>) target_semaphore(%run_scoped3A : memref<!tpu.dma_semaphore, #tpu.memory_space<semaphore_mem>>)
      %dma_wait3A = arith.constant 0 : i32
      %dma_wait3A_24 = arith.constant 0 : i32
      %dma_wait3A_25 = tpu.memref_slice %arg4[%add3A, %dma_wait3A, %dma_wait3A_24] : memref<32x79x128xi32, #tpu.memory_space<hbm>> -> memref<1x79x128xi32, #tpu.memory_space<hbm>>
      %dma_wait3A_26 = tpu.memref_squeeze %dma_wait3A_25 : memref<1x79x128xi32, #tpu.memory_space<hbm>> -> memref<79x128xi32, #tpu.memory_space<hbm>>
      %dma_wait3A_27 = arith.constant 0 : i32
      %dma_wait3A_28 = arith.constant 0 : i32
      %dma_wait3A_29 = tpu.memref_slice %arg4[%add3A, %dma_wait3A_27, %dma_wait3A_28] : memref<32x79x128xi32, #tpu.memory_space<hbm>> -> memref<1x79x128xi32, #tpu.memory_space<hbm>>
      %dma_wait3A_30 = tpu.memref_squeeze %dma_wait3A_29 : memref<1x79x128xi32, #tpu.memory_space<hbm>> -> memref<79x128xi32, #tpu.memory_space<hbm>>
      tpu.wait_dma2 semaphore(%run_scoped3A : memref<!tpu.dma_semaphore, #tpu.memory_space<semaphore_mem>>) src(%dma_wait3A_30 : memref<79x128xi32, #tpu.memory_space<hbm>>) dst(%arg8 : memref<79x128xi32, #tpu.memory_space<vmem>>)
      tpu.yield
    }) : () -> ()
    %barrier3A = arith.constant 0 : index
    tpu.barrier barrier_id(%barrier3A)
    %scan3A = arith.constant 0 : i32
    %scan3A_5 = arith.constant 0 : i32
    %scan3A_6 = arith.constant 79 : i32
    %scan3A_7 = arith.addi %scan3A_5, %scan3A_6 : i32
    %scan3A_8 = arith.constant 1 : i32
    scf.for %scan3A_17 = %scan3A_5 to %scan3A_7 step %scan3A_8  : i32 {
      %dma_start3A = arith.constant 0 : i32
      %dma_start3A_18 = tpu.memref_slice %arg7[%scan3A_17, %dma_start3A] : memref<79x128xi32, #tpu.memory_space<vmem>> -> memref<1x128xi32, #tpu.memory_space<vmem>>
      %dma_start3A_19 = tpu.memref_squeeze %dma_start3A_18 : memref<1x128xi32, #tpu.memory_space<vmem>> -> memref<128xi32, #tpu.memory_space<vmem>>
      %dma_start3A_20 = arith.constant 0 : i32
      %dma_start3A_21 = arith.constant 0 : i32
      %dma_start3A_22 = tpu.memref_slice %arg2[%dma_start3A_20, %dma_start3A_21] : memref<10000x128xf32, #tpu.memory_space<hbm>> -> memref<10000x128xf32, #tpu.memory_space<hbm>>
      tpu.enqueue_indirect_dma source(%dma_start3A_22 : memref<10000x128xf32, #tpu.memory_space<hbm>>) target(%arg9 : memref<128x128xf32, #tpu.memory_space<vmem>>) offsets(%dma_start3A_19 : memref<128xi32, #tpu.memory_space<vmem>>) semaphore(%arg11 : memref<!tpu.dma_semaphore, #tpu.memory_space<semaphore_mem>>)
      %dma_wait3A = arith.constant 0 : i32
      %dma_wait3A_23 = tpu.memref_slice %arg7[%scan3A_17, %dma_wait3A] : memref<79x128xi32, #tpu.memory_space<vmem>> -> memref<1x128xi32, #tpu.memory_space<vmem>>
      %dma_wait3A_24 = tpu.memref_squeeze %dma_wait3A_23 : memref<1x128xi32, #tpu.memory_space<vmem>> -> memref<128xi32, #tpu.memory_space<vmem>>
      %dma_wait3A_25 = arith.constant 0 : i32
      %dma_wait3A_26 = arith.constant 0 : i32
      %dma_wait3A_27 = tpu.memref_slice %arg2[%dma_wait3A_25, %dma_wait3A_26] : memref<10000x128xf32, #tpu.memory_space<hbm>> -> memref<10000x128xf32, #tpu.memory_space<hbm>>
      tpu.wait_indirect_dma semaphore(%arg11 : memref<!tpu.dma_semaphore, #tpu.memory_space<semaphore_mem>>) src(%dma_wait3A_27 : memref<10000x128xf32, #tpu.memory_space<hbm>>) dst(%arg9 : memref<128x128xf32, #tpu.memory_space<vmem>>)
      "tpu.region"() ({
        %run_scoped3A = tpu.sem_alloc : memref<!tpu.dma_semaphore, #tpu.memory_space<semaphore_mem>>
        %dma_start3A_28 = arith.constant 0 : i32
        %dma_start3A_29 = tpu.memref_slice %arg8[%scan3A_17, %dma_start3A_28] : memref<79x128xi32, #tpu.memory_space<vmem>> -> memref<1x128xi32, #tpu.memory_space<vmem>>
        %dma_start3A_30 = tpu.memref_squeeze %dma_start3A_29 : memref<1x128xi32, #tpu.memory_space<vmem>> -> memref<128xi32, #tpu.memory_space<vmem>>
        %dma_start3A_31 = arith.constant 0 : i32
        %dma_start3A_32 = arith.constant 0 : i32
        %dma_start3A_33 = tpu.memref_slice %arg10[%dma_start3A_31, %dma_start3A_32] : memref<10112x128xf32, #tpu.memory_space<vmem_shared>> -> memref<10112x128xf32, #tpu.memory_space<vmem_shared>>
        tpu.enqueue_indirect_dma source(%arg9 : memref<128x128xf32, #tpu.memory_space<vmem>>) target(%dma_start3A_33 : memref<10112x128xf32, #tpu.memory_space<vmem_shared>>) offsets(%dma_start3A_30 : memref<128xi32, #tpu.memory_space<vmem>>) semaphore(%run_scoped3A : memref<!tpu.dma_semaphore, #tpu.memory_space<semaphore_mem>>) {add = true}
        %dma_wait3A_34 = arith.constant 0 : i32
        %dma_wait3A_35 = tpu.memref_slice %arg8[%scan3A_17, %dma_wait3A_34] : memref<79x128xi32, #tpu.memory_space<vmem>> -> memref<1x128xi32, #tpu.memory_space<vmem>>
        %dma_wait3A_36 = tpu.memref_squeeze %dma_wait3A_35 : memref<1x128xi32, #tpu.memory_space<vmem>> -> memref<128xi32, #tpu.memory_space<vmem>>
        %dma_wait3A_37 = arith.constant 0 : i32
        %dma_wait3A_38 = arith.constant 0 : i32
        %dma_wait3A_39 = tpu.memref_slice %arg10[%dma_wait3A_37, %dma_wait3A_38] : memref<10112x128xf32, #tpu.memory_space<vmem_shared>> -> memref<10112x128xf32, #tpu.memory_space<vmem_shared>>
        tpu.wait_indirect_dma semaphore(%run_scoped3A : memref<!tpu.dma_semaphore, #tpu.memory_space<semaphore_mem>>) src(%arg9 : memref<128x128xf32, #tpu.memory_space<vmem>>) dst(%dma_wait3A_39 : memref<10112x128xf32, #tpu.memory_space<vmem_shared>>)
        tpu.yield
      }) : () -> ()
    }
    %scan3A_9 = arith.constant 79 : i32
    %barrier3A_10 = arith.constant 0 : index
    tpu.barrier barrier_id(%barrier3A_10)
    %lt3A = arith.constant 15 : i32
    %lt3A_11 = arith.cmpi slt, %arg1, %lt3A : i32
    %convert_element_type3A = arith.extui %lt3A_11 : i1 to i32
    %cond3A = arith.constant 0 : i32
    %cond3A_12 = arith.cmpi ne, %convert_element_type3A, %cond3A : i32
    scf.if %cond3A_12 {
      %mul3A_17 = arith.constant 632 : i32
      %mul3A_18 = arith.muli %arg1, %mul3A_17 : i32
      %mul3A_19 = arith.constant 632 : i32
      %mul3A_20 = arith.muli %arg1, %mul3A_19 : i32
      "tpu.region"() ({
        %run_scoped3A = tpu.sem_alloc : memref<!tpu.dma_semaphore, #tpu.memory_space<semaphore_mem>>
        %dma_start3A = arith.constant 0 : i32
        %dma_start3A_21 = tpu.memref_slice %arg6[%arg0, %mul3A_20, %dma_start3A] : memref<2x10000x128xf32, #tpu.memory_space<hbm>> -> memref<1x632x128xf32, #tpu.memory_space<hbm>>
        %dma_start3A_22 = tpu.memref_squeeze %dma_start3A_21 : memref<1x632x128xf32, #tpu.memory_space<hbm>> -> memref<632x128xf32, #tpu.memory_space<hbm>>
        %dma_start3A_23 = arith.constant 0 : i32
        %dma_start3A_24 = tpu.memref_slice %arg10[%mul3A_18, %dma_start3A_23] : memref<10112x128xf32, #tpu.memory_space<vmem_shared>> -> memref<632x128xf32, #tpu.memory_space<vmem_shared>>
        tpu.enqueue_dma source(%dma_start3A_24 : memref<632x128xf32, #tpu.memory_space<vmem_shared>>) target(%dma_start3A_22 : memref<632x128xf32, #tpu.memory_space<hbm>>) target_semaphore(%run_scoped3A : memref<!tpu.dma_semaphore, #tpu.memory_space<semaphore_mem>>)
        %dma_wait3A = arith.constant 0 : i32
        %dma_wait3A_25 = tpu.memref_slice %arg6[%arg0, %mul3A_20, %dma_wait3A] : memref<2x10000x128xf32, #tpu.memory_space<hbm>> -> memref<1x632x128xf32, #tpu.memory_space<hbm>>
        %dma_wait3A_26 = tpu.memref_squeeze %dma_wait3A_25 : memref<1x632x128xf32, #tpu.memory_space<hbm>> -> memref<632x128xf32, #tpu.memory_space<hbm>>
        %dma_wait3A_27 = arith.constant 0 : i32
        %dma_wait3A_28 = tpu.memref_slice %arg10[%mul3A_18, %dma_wait3A_27] : memref<10112x128xf32, #tpu.memory_space<vmem_shared>> -> memref<632x128xf32, #tpu.memory_space<vmem_shared>>
        tpu.wait_dma2 semaphore(%run_scoped3A : memref<!tpu.dma_semaphore, #tpu.memory_space<semaphore_mem>>) src(%dma_wait3A_28 : memref<632x128xf32, #tpu.memory_space<vmem_shared>>) dst(%dma_wait3A_26 : memref<632x128xf32, #tpu.memory_space<hbm>>)
        tpu.yield
      }) : () -> ()
    } else {
    }
    %eq3A = arith.constant 15 : i32
    %eq3A_13 = arith.cmpi eq, %arg1, %eq3A : i32
    %convert_element_type3A_14 = arith.extui %eq3A_13 : i1 to i32
    %cond3A_15 = arith.constant 0 : i32
    %cond3A_16 = arith.cmpi ne, %convert_element_type3A_14, %cond3A_15 : i32
    scf.if %cond3A_16 {
      "tpu.region"() ({
        %run_scoped3A = tpu.sem_alloc : memref<!tpu.dma_semaphore, #tpu.memory_space<semaphore_mem>>
        %dma_start3A = arith.constant 9480 : i32
        %dma_start3A_17 = arith.constant 0 : i32
        %dma_start3A_18 = tpu.memref_slice %arg6[%arg0, %dma_start3A, %dma_start3A_17] : memref<2x10000x128xf32, #tpu.memory_space<hbm>> -> memref<1x520x128xf32, #tpu.memory_space<hbm>>
        %dma_start3A_19 = tpu.memref_squeeze %dma_start3A_18 : memref<1x520x128xf32, #tpu.memory_space<hbm>> -> memref<520x128xf32, #tpu.memory_space<hbm>>
        %dma_start3A_20 = arith.constant 9480 : i32
        %dma_start3A_21 = arith.constant 0 : i32
        %dma_start3A_22 = tpu.memref_slice %arg10[%dma_start3A_20, %dma_start3A_21] : memref<10112x128xf32, #tpu.memory_space<vmem_shared>> -> memref<520x128xf32, #tpu.memory_space<vmem_shared>>
        tpu.enqueue_dma source(%dma_start3A_22 : memref<520x128xf32, #tpu.memory_space<vmem_shared>>) target(%dma_start3A_19 : memref<520x128xf32, #tpu.memory_space<hbm>>) target_semaphore(%run_scoped3A : memref<!tpu.dma_semaphore, #tpu.memory_space<semaphore_mem>>)
        %dma_wait3A = arith.constant 9480 : i32
        %dma_wait3A_23 = arith.constant 0 : i32
        %dma_wait3A_24 = tpu.memref_slice %arg6[%arg0, %dma_wait3A, %dma_wait3A_23] : memref<2x10000x128xf32, #tpu.memory_space<hbm>> -> memref<1x520x128xf32, #tpu.memory_space<hbm>>
        %dma_wait3A_25 = tpu.memref_squeeze %dma_wait3A_24 : memref<1x520x128xf32, #tpu.memory_space<hbm>> -> memref<520x128xf32, #tpu.memory_space<hbm>>
        %dma_wait3A_26 = arith.constant 9480 : i32
        %dma_wait3A_27 = arith.constant 0 : i32
        %dma_wait3A_28 = tpu.memref_slice %arg10[%dma_wait3A_26, %dma_wait3A_27] : memref<10112x128xf32, #tpu.memory_space<vmem_shared>> -> memref<520x128xf32, #tpu.memory_space<vmem_shared>>
        tpu.wait_dma2 semaphore(%run_scoped3A : memref<!tpu.dma_semaphore, #tpu.memory_space<semaphore_mem>>) src(%dma_wait3A_28 : memref<520x128xf32, #tpu.memory_space<vmem_shared>>) dst(%dma_wait3A_25 : memref<520x128xf32, #tpu.memory_space<hbm>>)
        tpu.yield
      }) : () -> ()
    } else {
    }
    return
  }
}

#map = affine_map<(d0, d1) -> (0, 0)>
#map1 = affine_map<(d0, d1) -> (0, 0, 0)>
module attributes {stable_mosaic.version = 14 : i64} {
  func.func @agg_kernel(%arg0: i32, %arg1: i32, %arg2: memref<10000x128xf32, #tpu.memory_space<hbm>>, %arg3: memref<32x79x128xi32, #tpu.memory_space<hbm>>, %arg4: memref<32x79x128xi32, #tpu.memory_space<hbm>>, %arg5: memref<10112x128xf32, #tpu.memory_space<hbm>>, %arg6: memref<2x10000x128xf32, #tpu.memory_space<hbm>>, %arg7: memref<79x128xi32, #tpu.memory_space<vmem>>, %arg8: memref<79x128xi32, #tpu.memory_space<vmem>>, %arg9: memref<128x128xf32, #tpu.memory_space<vmem>>, %arg10: memref<10112x128xf32, #tpu.memory_space<vmem_shared>>, %arg11: memref<!tpu.dma_semaphore, #tpu.memory_space<semaphore_mem>>) attributes {dimension_semantics = [#tpu.dimension_semantics<core_parallel>, #tpu.dimension_semantics<subcore_parallel>], iteration_bounds = array<i64: 2, 16>, scalar_prefetch = 0 : i64, scratch_operands = 5 : i64, tpu.core_type = #tpu.core_type<sc_vector_subcore>, window_params = [{transform_indices = #map}, {transform_indices = #map1}, {transform_indices = #map1}, {transform_indices = #map}, {transform_indices = #map1}]} {
    %mul3A = arith.constant 16 : i32
    %mul3A_0 = arith.muli %arg0, %mul3A : i32
    %add3A = arith.addi %mul3A_0, %arg1 : i32
    %mul3A_1 = arith.constant 632 : i32
    %mul3A_2 = arith.muli %arg1, %mul3A_1 : i32
    %mul3A_3 = arith.constant 632 : i32
    %mul3A_4 = arith.muli %arg1, %mul3A_3 : i32
    "tpu.region"() ({
      %run_scoped3A = tpu.sem_alloc : memref<!tpu.dma_semaphore, #tpu.memory_space<semaphore_mem>>
      %dma_start3A = arith.constant 0 : i32
      %dma_start3A_17 = tpu.memref_slice %arg10[%mul3A_4, %dma_start3A] : memref<10112x128xf32, #tpu.memory_space<vmem_shared>> -> memref<632x128xf32, #tpu.memory_space<vmem_shared>>
      %dma_start3A_18 = arith.constant 0 : i32
      %dma_start3A_19 = tpu.memref_slice %arg5[%mul3A_2, %dma_start3A_18] : memref<10112x128xf32, #tpu.memory_space<hbm>> -> memref<632x128xf32, #tpu.memory_space<hbm>>
      tpu.enqueue_dma source(%dma_start3A_19 : memref<632x128xf32, #tpu.memory_space<hbm>>) target(%dma_start3A_17 : memref<632x128xf32, #tpu.memory_space<vmem_shared>>) target_semaphore(%run_scoped3A : memref<!tpu.dma_semaphore, #tpu.memory_space<semaphore_mem>>)
      %dma_wait3A = arith.constant 0 : i32
      %dma_wait3A_20 = tpu.memref_slice %arg10[%mul3A_4, %dma_wait3A] : memref<10112x128xf32, #tpu.memory_space<vmem_shared>> -> memref<632x128xf32, #tpu.memory_space<vmem_shared>>
      %dma_wait3A_21 = arith.constant 0 : i32
      %dma_wait3A_22 = tpu.memref_slice %arg5[%mul3A_2, %dma_wait3A_21] : memref<10112x128xf32, #tpu.memory_space<hbm>> -> memref<632x128xf32, #tpu.memory_space<hbm>>
      tpu.wait_dma2 semaphore(%run_scoped3A : memref<!tpu.dma_semaphore, #tpu.memory_space<semaphore_mem>>) src(%dma_wait3A_22 : memref<632x128xf32, #tpu.memory_space<hbm>>) dst(%dma_wait3A_20 : memref<632x128xf32, #tpu.memory_space<vmem_shared>>)
      tpu.yield
    }) : () -> ()
    "tpu.region"() ({
      %run_scoped3A = tpu.sem_alloc : memref<!tpu.dma_semaphore, #tpu.memory_space<semaphore_mem>>
      %dma_start3A = arith.constant 0 : i32
      %dma_start3A_17 = arith.constant 0 : i32
      %dma_start3A_18 = tpu.memref_slice %arg3[%add3A, %dma_start3A, %dma_start3A_17] : memref<32x79x128xi32, #tpu.memory_space<hbm>> -> memref<1x79x128xi32, #tpu.memory_space<hbm>>
      %dma_start3A_19 = tpu.memref_squeeze %dma_start3A_18 : memref<1x79x128xi32, #tpu.memory_space<hbm>> -> memref<79x128xi32, #tpu.memory_space<hbm>>
      %dma_start3A_20 = arith.constant 0 : i32
      %dma_start3A_21 = arith.constant 0 : i32
      %dma_start3A_22 = tpu.memref_slice %arg3[%add3A, %dma_start3A_20, %dma_start3A_21] : memref<32x79x128xi32, #tpu.memory_space<hbm>> -> memref<1x79x128xi32, #tpu.memory_space<hbm>>
      %dma_start3A_23 = tpu.memref_squeeze %dma_start3A_22 : memref<1x79x128xi32, #tpu.memory_space<hbm>> -> memref<79x128xi32, #tpu.memory_space<hbm>>
      tpu.enqueue_dma source(%dma_start3A_23 : memref<79x128xi32, #tpu.memory_space<hbm>>) target(%arg7 : memref<79x128xi32, #tpu.memory_space<vmem>>) target_semaphore(%run_scoped3A : memref<!tpu.dma_semaphore, #tpu.memory_space<semaphore_mem>>)
      %dma_wait3A = arith.constant 0 : i32
      %dma_wait3A_24 = arith.constant 0 : i32
      %dma_wait3A_25 = tpu.memref_slice %arg3[%add3A, %dma_wait3A, %dma_wait3A_24] : memref<32x79x128xi32, #tpu.memory_space<hbm>> -> memref<1x79x128xi32, #tpu.memory_space<hbm>>
      %dma_wait3A_26 = tpu.memref_squeeze %dma_wait3A_25 : memref<1x79x128xi32, #tpu.memory_space<hbm>> -> memref<79x128xi32, #tpu.memory_space<hbm>>
      %dma_wait3A_27 = arith.constant 0 : i32
      %dma_wait3A_28 = arith.constant 0 : i32
      %dma_wait3A_29 = tpu.memref_slice %arg3[%add3A, %dma_wait3A_27, %dma_wait3A_28] : memref<32x79x128xi32, #tpu.memory_space<hbm>> -> memref<1x79x128xi32, #tpu.memory_space<hbm>>
      %dma_wait3A_30 = tpu.memref_squeeze %dma_wait3A_29 : memref<1x79x128xi32, #tpu.memory_space<hbm>> -> memref<79x128xi32, #tpu.memory_space<hbm>>
      tpu.wait_dma2 semaphore(%run_scoped3A : memref<!tpu.dma_semaphore, #tpu.memory_space<semaphore_mem>>) src(%dma_wait3A_30 : memref<79x128xi32, #tpu.memory_space<hbm>>) dst(%arg7 : memref<79x128xi32, #tpu.memory_space<vmem>>)
      tpu.yield
    }) : () -> ()
    "tpu.region"() ({
      %run_scoped3A = tpu.sem_alloc : memref<!tpu.dma_semaphore, #tpu.memory_space<semaphore_mem>>
      %dma_start3A = arith.constant 0 : i32
      %dma_start3A_17 = arith.constant 0 : i32
      %dma_start3A_18 = tpu.memref_slice %arg4[%add3A, %dma_start3A, %dma_start3A_17] : memref<32x79x128xi32, #tpu.memory_space<hbm>> -> memref<1x79x128xi32, #tpu.memory_space<hbm>>
      %dma_start3A_19 = tpu.memref_squeeze %dma_start3A_18 : memref<1x79x128xi32, #tpu.memory_space<hbm>> -> memref<79x128xi32, #tpu.memory_space<hbm>>
      %dma_start3A_20 = arith.constant 0 : i32
      %dma_start3A_21 = arith.constant 0 : i32
      %dma_start3A_22 = tpu.memref_slice %arg4[%add3A, %dma_start3A_20, %dma_start3A_21] : memref<32x79x128xi32, #tpu.memory_space<hbm>> -> memref<1x79x128xi32, #tpu.memory_space<hbm>>
      %dma_start3A_23 = tpu.memref_squeeze %dma_start3A_22 : memref<1x79x128xi32, #tpu.memory_space<hbm>> -> memref<79x128xi32, #tpu.memory_space<hbm>>
      tpu.enqueue_dma source(%dma_start3A_23 : memref<79x128xi32, #tpu.memory_space<hbm>>) target(%arg8 : memref<79x128xi32, #tpu.memory_space<vmem>>) target_semaphore(%run_scoped3A : memref<!tpu.dma_semaphore, #tpu.memory_space<semaphore_mem>>)
      %dma_wait3A = arith.constant 0 : i32
      %dma_wait3A_24 = arith.constant 0 : i32
      %dma_wait3A_25 = tpu.memref_slice %arg4[%add3A, %dma_wait3A, %dma_wait3A_24] : memref<32x79x128xi32, #tpu.memory_space<hbm>> -> memref<1x79x128xi32, #tpu.memory_space<hbm>>
      %dma_wait3A_26 = tpu.memref_squeeze %dma_wait3A_25 : memref<1x79x128xi32, #tpu.memory_space<hbm>> -> memref<79x128xi32, #tpu.memory_space<hbm>>
      %dma_wait3A_27 = arith.constant 0 : i32
      %dma_wait3A_28 = arith.constant 0 : i32
      %dma_wait3A_29 = tpu.memref_slice %arg4[%add3A, %dma_wait3A_27, %dma_wait3A_28] : memref<32x79x128xi32, #tpu.memory_space<hbm>> -> memref<1x79x128xi32, #tpu.memory_space<hbm>>
      %dma_wait3A_30 = tpu.memref_squeeze %dma_wait3A_29 : memref<1x79x128xi32, #tpu.memory_space<hbm>> -> memref<79x128xi32, #tpu.memory_space<hbm>>
      tpu.wait_dma2 semaphore(%run_scoped3A : memref<!tpu.dma_semaphore, #tpu.memory_space<semaphore_mem>>) src(%dma_wait3A_30 : memref<79x128xi32, #tpu.memory_space<hbm>>) dst(%arg8 : memref<79x128xi32, #tpu.memory_space<vmem>>)
      tpu.yield
    }) : () -> ()
    %barrier3A = arith.constant 0 : index
    tpu.barrier barrier_id(%barrier3A)
    %scan3A = arith.constant 0 : i32
    %scan3A_5 = arith.constant 0 : i32
    %scan3A_6 = arith.constant 79 : i32
    %scan3A_7 = arith.addi %scan3A_5, %scan3A_6 : i32
    %scan3A_8 = arith.constant 1 : i32
    scf.for %scan3A_17 = %scan3A_5 to %scan3A_7 step %scan3A_8  : i32 {
      %dma_start3A = arith.constant 0 : i32
      %dma_start3A_18 = tpu.memref_slice %arg7[%scan3A_17, %dma_start3A] : memref<79x128xi32, #tpu.memory_space<vmem>> -> memref<1x128xi32, #tpu.memory_space<vmem>>
      %dma_start3A_19 = tpu.memref_squeeze %dma_start3A_18 : memref<1x128xi32, #tpu.memory_space<vmem>> -> memref<128xi32, #tpu.memory_space<vmem>>
      %dma_start3A_20 = arith.constant 0 : i32
      %dma_start3A_21 = arith.constant 0 : i32
      %dma_start3A_22 = tpu.memref_slice %arg2[%dma_start3A_20, %dma_start3A_21] : memref<10000x128xf32, #tpu.memory_space<hbm>> -> memref<10000x128xf32, #tpu.memory_space<hbm>>
      tpu.enqueue_indirect_dma source(%dma_start3A_22 : memref<10000x128xf32, #tpu.memory_space<hbm>>) target(%arg9 : memref<128x128xf32, #tpu.memory_space<vmem>>) offsets(%dma_start3A_19 : memref<128xi32, #tpu.memory_space<vmem>>) semaphore(%arg11 : memref<!tpu.dma_semaphore, #tpu.memory_space<semaphore_mem>>)
      %dma_wait3A = arith.constant 0 : i32
      %dma_wait3A_23 = tpu.memref_slice %arg7[%scan3A_17, %dma_wait3A] : memref<79x128xi32, #tpu.memory_space<vmem>> -> memref<1x128xi32, #tpu.memory_space<vmem>>
      %dma_wait3A_24 = tpu.memref_squeeze %dma_wait3A_23 : memref<1x128xi32, #tpu.memory_space<vmem>> -> memref<128xi32, #tpu.memory_space<vmem>>
      %dma_wait3A_25 = arith.constant 0 : i32
      %dma_wait3A_26 = arith.constant 0 : i32
      %dma_wait3A_27 = tpu.memref_slice %arg2[%dma_wait3A_25, %dma_wait3A_26] : memref<10000x128xf32, #tpu.memory_space<hbm>> -> memref<10000x128xf32, #tpu.memory_space<hbm>>
      tpu.wait_indirect_dma semaphore(%arg11 : memref<!tpu.dma_semaphore, #tpu.memory_space<semaphore_mem>>) src(%dma_wait3A_27 : memref<10000x128xf32, #tpu.memory_space<hbm>>) dst(%arg9 : memref<128x128xf32, #tpu.memory_space<vmem>>)
      "tpu.region"() ({
        %run_scoped3A = tpu.sem_alloc : memref<!tpu.dma_semaphore, #tpu.memory_space<semaphore_mem>>
        %dma_start3A_28 = arith.constant 0 : i32
        %dma_start3A_29 = tpu.memref_slice %arg8[%scan3A_17, %dma_start3A_28] : memref<79x128xi32, #tpu.memory_space<vmem>> -> memref<1x128xi32, #tpu.memory_space<vmem>>
        %dma_start3A_30 = tpu.memref_squeeze %dma_start3A_29 : memref<1x128xi32, #tpu.memory_space<vmem>> -> memref<128xi32, #tpu.memory_space<vmem>>
        %dma_start3A_31 = arith.constant 0 : i32
        %dma_start3A_32 = arith.constant 0 : i32
        %dma_start3A_33 = tpu.memref_slice %arg10[%dma_start3A_31, %dma_start3A_32] : memref<10112x128xf32, #tpu.memory_space<vmem_shared>> -> memref<10112x128xf32, #tpu.memory_space<vmem_shared>>
        tpu.enqueue_indirect_dma source(%arg9 : memref<128x128xf32, #tpu.memory_space<vmem>>) target(%dma_start3A_33 : memref<10112x128xf32, #tpu.memory_space<vmem_shared>>) offsets(%dma_start3A_30 : memref<128xi32, #tpu.memory_space<vmem>>) semaphore(%run_scoped3A : memref<!tpu.dma_semaphore, #tpu.memory_space<semaphore_mem>>) {add = true}
        %dma_wait3A_34 = arith.constant 0 : i32
        %dma_wait3A_35 = tpu.memref_slice %arg8[%scan3A_17, %dma_wait3A_34] : memref<79x128xi32, #tpu.memory_space<vmem>> -> memref<1x128xi32, #tpu.memory_space<vmem>>
        %dma_wait3A_36 = tpu.memref_squeeze %dma_wait3A_35 : memref<1x128xi32, #tpu.memory_space<vmem>> -> memref<128xi32, #tpu.memory_space<vmem>>
        %dma_wait3A_37 = arith.constant 0 : i32
        %dma_wait3A_38 = arith.constant 0 : i32
        %dma_wait3A_39 = tpu.memref_slice %arg10[%dma_wait3A_37, %dma_wait3A_38] : memref<10112x128xf32, #tpu.memory_space<vmem_shared>> -> memref<10112x128xf32, #tpu.memory_space<vmem_shared>>
        tpu.wait_indirect_dma semaphore(%run_scoped3A : memref<!tpu.dma_semaphore, #tpu.memory_space<semaphore_mem>>) src(%arg9 : memref<128x128xf32, #tpu.memory_space<vmem>>) dst(%dma_wait3A_39 : memref<10112x128xf32, #tpu.memory_space<vmem_shared>>)
        tpu.yield
      }) : () -> ()
    }
    %scan3A_9 = arith.constant 79 : i32
    %barrier3A_10 = arith.constant 0 : index
    tpu.barrier barrier_id(%barrier3A_10)
    %lt3A = arith.constant 15 : i32
    %lt3A_11 = arith.cmpi slt, %arg1, %lt3A : i32
    %convert_element_type3A = arith.extui %lt3A_11 : i1 to i32
    %cond3A = arith.constant 0 : i32
    %cond3A_12 = arith.cmpi ne, %convert_element_type3A, %cond3A : i32
    scf.if %cond3A_12 {
      %mul3A_17 = arith.constant 632 : i32
      %mul3A_18 = arith.muli %arg1, %mul3A_17 : i32
      %mul3A_19 = arith.constant 632 : i32
      %mul3A_20 = arith.muli %arg1, %mul3A_19 : i32
      "tpu.region"() ({
        %run_scoped3A = tpu.sem_alloc : memref<!tpu.dma_semaphore, #tpu.memory_space<semaphore_mem>>
        %dma_start3A = arith.constant 0 : i32
        %dma_start3A_21 = tpu.memref_slice %arg6[%arg0, %mul3A_20, %dma_start3A] : memref<2x10000x128xf32, #tpu.memory_space<hbm>> -> memref<1x632x128xf32, #tpu.memory_space<hbm>>
        %dma_start3A_22 = tpu.memref_squeeze %dma_start3A_21 : memref<1x632x128xf32, #tpu.memory_space<hbm>> -> memref<632x128xf32, #tpu.memory_space<hbm>>
        %dma_start3A_23 = arith.constant 0 : i32
        %dma_start3A_24 = tpu.memref_slice %arg10[%mul3A_18, %dma_start3A_23] : memref<10112x128xf32, #tpu.memory_space<vmem_shared>> -> memref<632x128xf32, #tpu.memory_space<vmem_shared>>
        tpu.enqueue_dma source(%dma_start3A_24 : memref<632x128xf32, #tpu.memory_space<vmem_shared>>) target(%dma_start3A_22 : memref<632x128xf32, #tpu.memory_space<hbm>>) target_semaphore(%run_scoped3A : memref<!tpu.dma_semaphore, #tpu.memory_space<semaphore_mem>>)
        %dma_wait3A = arith.constant 0 : i32
        %dma_wait3A_25 = tpu.memref_slice %arg6[%arg0, %mul3A_20, %dma_wait3A] : memref<2x10000x128xf32, #tpu.memory_space<hbm>> -> memref<1x632x128xf32, #tpu.memory_space<hbm>>
        %dma_wait3A_26 = tpu.memref_squeeze %dma_wait3A_25 : memref<1x632x128xf32, #tpu.memory_space<hbm>> -> memref<632x128xf32, #tpu.memory_space<hbm>>
        %dma_wait3A_27 = arith.constant 0 : i32
        %dma_wait3A_28 = tpu.memref_slice %arg10[%mul3A_18, %dma_wait3A_27] : memref<10112x128xf32, #tpu.memory_space<vmem_shared>> -> memref<632x128xf32, #tpu.memory_space<vmem_shared>>
        tpu.wait_dma2 semaphore(%run_scoped3A : memref<!tpu.dma_semaphore, #tpu.memory_space<semaphore_mem>>) src(%dma_wait3A_28 : memref<632x128xf32, #tpu.memory_space<vmem_shared>>) dst(%dma_wait3A_26 : memref<632x128xf32, #tpu.memory_space<hbm>>)
        tpu.yield
      }) : () -> ()
    } else {
    }
    %eq3A = arith.constant 15 : i32
    %eq3A_13 = arith.cmpi eq, %arg1, %eq3A : i32
    %convert_element_type3A_14 = arith.extui %eq3A_13 : i1 to i32
    %cond3A_15 = arith.constant 0 : i32
    %cond3A_16 = arith.cmpi ne, %convert_element_type3A_14, %cond3A_15 : i32
    scf.if %cond3A_16 {
      "tpu.region"() ({
        %run_scoped3A = tpu.sem_alloc : memref<!tpu.dma_semaphore, #tpu.memory_space<semaphore_mem>>
        %dma_start3A = arith.constant 9480 : i32
        %dma_start3A_17 = arith.constant 0 : i32
        %dma_start3A_18 = tpu.memref_slice %arg6[%arg0, %dma_start3A, %dma_start3A_17] : memref<2x10000x128xf32, #tpu.memory_space<hbm>> -> memref<1x520x128xf32, #tpu.memory_space<hbm>>
        %dma_start3A_19 = tpu.memref_squeeze %dma_start3A_18 : memref<1x520x128xf32, #tpu.memory_space<hbm>> -> memref<520x128xf32, #tpu.memory_space<hbm>>
        %dma_start3A_20 = arith.constant 9480 : i32
        %dma_start3A_21 = arith.constant 0 : i32
        %dma_start3A_22 = tpu.memref_slice %arg10[%dma_start3A_20, %dma_start3A_21] : memref<10112x128xf32, #tpu.memory_space<vmem_shared>> -> memref<520x128xf32, #tpu.memory_space<vmem_shared>>
        tpu.enqueue_dma source(%dma_start3A_22 : memref<520x128xf32, #tpu.memory_space<vmem_shared>>) target(%dma_start3A_19 : memref<520x128xf32, #tpu.memory_space<hbm>>) target_semaphore(%run_scoped3A : memref<!tpu.dma_semaphore, #tpu.memory_space<semaphore_mem>>)
        %dma_wait3A = arith.constant 9480 : i32
        %dma_wait3A_23 = arith.constant 0 : i32
        %dma_wait3A_24 = tpu.memref_slice %arg6[%arg0, %dma_wait3A, %dma_wait3A_23] : memref<2x10000x128xf32, #tpu.memory_space<hbm>> -> memref<1x520x128xf32, #tpu.memory_space<hbm>>
        %dma_wait3A_25 = tpu.memref_squeeze %dma_wait3A_24 : memref<1x520x128xf32, #tpu.memory_space<hbm>> -> memref<520x128xf32, #tpu.memory_space<hbm>>
        %dma_wait3A_26 = arith.constant 9480 : i32
        %dma_wait3A_27 = arith.constant 0 : i32
        %dma_wait3A_28 = tpu.memref_slice %arg10[%dma_wait3A_26, %dma_wait3A_27] : memref<10112x128xf32, #tpu.memory_space<vmem_shared>> -> memref<520x128xf32, #tpu.memory_space<vmem_shared>>
        tpu.wait_dma2 semaphore(%run_scoped3A : memref<!tpu.dma_semaphore, #tpu.memory_space<semaphore_mem>>) src(%dma_wait3A_28 : memref<520x128xf32, #tpu.memory_space<vmem_shared>>) dst(%dma_wait3A_25 : memref<520x128xf32, #tpu.memory_space<hbm>>)
        tpu.yield
      }) : () -> ()
    } else {
    }
    return
  }
}

#map = affine_map<(d0, d1) -> (0, 0)>
#map1 = affine_map<(d0, d1) -> (0, 0, 0)>
module attributes {stable_mosaic.version = 14 : i64} {
  func.func @agg_kernel(%arg0: i32, %arg1: i32, %arg2: memref<10000x128xf32, #tpu.memory_space<hbm>>, %arg3: memref<32x79x128xi32, #tpu.memory_space<hbm>>, %arg4: memref<32x79x128xi32, #tpu.memory_space<hbm>>, %arg5: memref<10112x128xf32, #tpu.memory_space<hbm>>, %arg6: memref<2x10000x128xf32, #tpu.memory_space<hbm>>, %arg7: memref<79x128xi32, #tpu.memory_space<vmem>>, %arg8: memref<79x128xi32, #tpu.memory_space<vmem>>, %arg9: memref<128x128xf32, #tpu.memory_space<vmem>>, %arg10: memref<10112x128xf32, #tpu.memory_space<vmem_shared>>, %arg11: memref<!tpu.dma_semaphore, #tpu.memory_space<semaphore_mem>>) attributes {dimension_semantics = [#tpu.dimension_semantics<core_parallel>, #tpu.dimension_semantics<subcore_parallel>], iteration_bounds = array<i64: 2, 16>, scalar_prefetch = 0 : i64, scratch_operands = 5 : i64, tpu.core_type = #tpu.core_type<sc_vector_subcore>, window_params = [{transform_indices = #map}, {transform_indices = #map1}, {transform_indices = #map1}, {transform_indices = #map}, {transform_indices = #map1}]} {
    %mul3A = arith.constant 16 : i32
    %mul3A_0 = arith.muli %arg0, %mul3A : i32
    %add3A = arith.addi %mul3A_0, %arg1 : i32
    %mul3A_1 = arith.constant 632 : i32
    %mul3A_2 = arith.muli %arg1, %mul3A_1 : i32
    %mul3A_3 = arith.constant 632 : i32
    %mul3A_4 = arith.muli %arg1, %mul3A_3 : i32
    "tpu.region"() ({
      %run_scoped3A = tpu.sem_alloc : memref<!tpu.dma_semaphore, #tpu.memory_space<semaphore_mem>>
      %dma_start3A = arith.constant 0 : i32
      %dma_start3A_17 = tpu.memref_slice %arg10[%mul3A_4, %dma_start3A] : memref<10112x128xf32, #tpu.memory_space<vmem_shared>> -> memref<632x128xf32, #tpu.memory_space<vmem_shared>>
      %dma_start3A_18 = arith.constant 0 : i32
      %dma_start3A_19 = tpu.memref_slice %arg5[%mul3A_2, %dma_start3A_18] : memref<10112x128xf32, #tpu.memory_space<hbm>> -> memref<632x128xf32, #tpu.memory_space<hbm>>
      tpu.enqueue_dma source(%dma_start3A_19 : memref<632x128xf32, #tpu.memory_space<hbm>>) target(%dma_start3A_17 : memref<632x128xf32, #tpu.memory_space<vmem_shared>>) target_semaphore(%run_scoped3A : memref<!tpu.dma_semaphore, #tpu.memory_space<semaphore_mem>>)
      %dma_wait3A = arith.constant 0 : i32
      %dma_wait3A_20 = tpu.memref_slice %arg10[%mul3A_4, %dma_wait3A] : memref<10112x128xf32, #tpu.memory_space<vmem_shared>> -> memref<632x128xf32, #tpu.memory_space<vmem_shared>>
      %dma_wait3A_21 = arith.constant 0 : i32
      %dma_wait3A_22 = tpu.memref_slice %arg5[%mul3A_2, %dma_wait3A_21] : memref<10112x128xf32, #tpu.memory_space<hbm>> -> memref<632x128xf32, #tpu.memory_space<hbm>>
      tpu.wait_dma2 semaphore(%run_scoped3A : memref<!tpu.dma_semaphore, #tpu.memory_space<semaphore_mem>>) src(%dma_wait3A_22 : memref<632x128xf32, #tpu.memory_space<hbm>>) dst(%dma_wait3A_20 : memref<632x128xf32, #tpu.memory_space<vmem_shared>>)
      tpu.yield
    }) : () -> ()
    "tpu.region"() ({
      %run_scoped3A = tpu.sem_alloc : memref<!tpu.dma_semaphore, #tpu.memory_space<semaphore_mem>>
      %dma_start3A = arith.constant 0 : i32
      %dma_start3A_17 = arith.constant 0 : i32
      %dma_start3A_18 = tpu.memref_slice %arg3[%add3A, %dma_start3A, %dma_start3A_17] : memref<32x79x128xi32, #tpu.memory_space<hbm>> -> memref<1x79x128xi32, #tpu.memory_space<hbm>>
      %dma_start3A_19 = tpu.memref_squeeze %dma_start3A_18 : memref<1x79x128xi32, #tpu.memory_space<hbm>> -> memref<79x128xi32, #tpu.memory_space<hbm>>
      %dma_start3A_20 = arith.constant 0 : i32
      %dma_start3A_21 = arith.constant 0 : i32
      %dma_start3A_22 = tpu.memref_slice %arg3[%add3A, %dma_start3A_20, %dma_start3A_21] : memref<32x79x128xi32, #tpu.memory_space<hbm>> -> memref<1x79x128xi32, #tpu.memory_space<hbm>>
      %dma_start3A_23 = tpu.memref_squeeze %dma_start3A_22 : memref<1x79x128xi32, #tpu.memory_space<hbm>> -> memref<79x128xi32, #tpu.memory_space<hbm>>
      tpu.enqueue_dma source(%dma_start3A_23 : memref<79x128xi32, #tpu.memory_space<hbm>>) target(%arg7 : memref<79x128xi32, #tpu.memory_space<vmem>>) target_semaphore(%run_scoped3A : memref<!tpu.dma_semaphore, #tpu.memory_space<semaphore_mem>>)
      %dma_wait3A = arith.constant 0 : i32
      %dma_wait3A_24 = arith.constant 0 : i32
      %dma_wait3A_25 = tpu.memref_slice %arg3[%add3A, %dma_wait3A, %dma_wait3A_24] : memref<32x79x128xi32, #tpu.memory_space<hbm>> -> memref<1x79x128xi32, #tpu.memory_space<hbm>>
      %dma_wait3A_26 = tpu.memref_squeeze %dma_wait3A_25 : memref<1x79x128xi32, #tpu.memory_space<hbm>> -> memref<79x128xi32, #tpu.memory_space<hbm>>
      %dma_wait3A_27 = arith.constant 0 : i32
      %dma_wait3A_28 = arith.constant 0 : i32
      %dma_wait3A_29 = tpu.memref_slice %arg3[%add3A, %dma_wait3A_27, %dma_wait3A_28] : memref<32x79x128xi32, #tpu.memory_space<hbm>> -> memref<1x79x128xi32, #tpu.memory_space<hbm>>
      %dma_wait3A_30 = tpu.memref_squeeze %dma_wait3A_29 : memref<1x79x128xi32, #tpu.memory_space<hbm>> -> memref<79x128xi32, #tpu.memory_space<hbm>>
      tpu.wait_dma2 semaphore(%run_scoped3A : memref<!tpu.dma_semaphore, #tpu.memory_space<semaphore_mem>>) src(%dma_wait3A_30 : memref<79x128xi32, #tpu.memory_space<hbm>>) dst(%arg7 : memref<79x128xi32, #tpu.memory_space<vmem>>)
      tpu.yield
    }) : () -> ()
    "tpu.region"() ({
      %run_scoped3A = tpu.sem_alloc : memref<!tpu.dma_semaphore, #tpu.memory_space<semaphore_mem>>
      %dma_start3A = arith.constant 0 : i32
      %dma_start3A_17 = arith.constant 0 : i32
      %dma_start3A_18 = tpu.memref_slice %arg4[%add3A, %dma_start3A, %dma_start3A_17] : memref<32x79x128xi32, #tpu.memory_space<hbm>> -> memref<1x79x128xi32, #tpu.memory_space<hbm>>
      %dma_start3A_19 = tpu.memref_squeeze %dma_start3A_18 : memref<1x79x128xi32, #tpu.memory_space<hbm>> -> memref<79x128xi32, #tpu.memory_space<hbm>>
      %dma_start3A_20 = arith.constant 0 : i32
      %dma_start3A_21 = arith.constant 0 : i32
      %dma_start3A_22 = tpu.memref_slice %arg4[%add3A, %dma_start3A_20, %dma_start3A_21] : memref<32x79x128xi32, #tpu.memory_space<hbm>> -> memref<1x79x128xi32, #tpu.memory_space<hbm>>
      %dma_start3A_23 = tpu.memref_squeeze %dma_start3A_22 : memref<1x79x128xi32, #tpu.memory_space<hbm>> -> memref<79x128xi32, #tpu.memory_space<hbm>>
      tpu.enqueue_dma source(%dma_start3A_23 : memref<79x128xi32, #tpu.memory_space<hbm>>) target(%arg8 : memref<79x128xi32, #tpu.memory_space<vmem>>) target_semaphore(%run_scoped3A : memref<!tpu.dma_semaphore, #tpu.memory_space<semaphore_mem>>)
      %dma_wait3A = arith.constant 0 : i32
      %dma_wait3A_24 = arith.constant 0 : i32
      %dma_wait3A_25 = tpu.memref_slice %arg4[%add3A, %dma_wait3A, %dma_wait3A_24] : memref<32x79x128xi32, #tpu.memory_space<hbm>> -> memref<1x79x128xi32, #tpu.memory_space<hbm>>
      %dma_wait3A_26 = tpu.memref_squeeze %dma_wait3A_25 : memref<1x79x128xi32, #tpu.memory_space<hbm>> -> memref<79x128xi32, #tpu.memory_space<hbm>>
      %dma_wait3A_27 = arith.constant 0 : i32
      %dma_wait3A_28 = arith.constant 0 : i32
      %dma_wait3A_29 = tpu.memref_slice %arg4[%add3A, %dma_wait3A_27, %dma_wait3A_28] : memref<32x79x128xi32, #tpu.memory_space<hbm>> -> memref<1x79x128xi32, #tpu.memory_space<hbm>>
      %dma_wait3A_30 = tpu.memref_squeeze %dma_wait3A_29 : memref<1x79x128xi32, #tpu.memory_space<hbm>> -> memref<79x128xi32, #tpu.memory_space<hbm>>
      tpu.wait_dma2 semaphore(%run_scoped3A : memref<!tpu.dma_semaphore, #tpu.memory_space<semaphore_mem>>) src(%dma_wait3A_30 : memref<79x128xi32, #tpu.memory_space<hbm>>) dst(%arg8 : memref<79x128xi32, #tpu.memory_space<vmem>>)
      tpu.yield
    }) : () -> ()
    %barrier3A = arith.constant 0 : index
    tpu.barrier barrier_id(%barrier3A)
    %scan3A = arith.constant 0 : i32
    %scan3A_5 = arith.constant 0 : i32
    %scan3A_6 = arith.constant 79 : i32
    %scan3A_7 = arith.addi %scan3A_5, %scan3A_6 : i32
    %scan3A_8 = arith.constant 1 : i32
    scf.for %scan3A_17 = %scan3A_5 to %scan3A_7 step %scan3A_8  : i32 {
      %dma_start3A = arith.constant 0 : i32
      %dma_start3A_18 = tpu.memref_slice %arg7[%scan3A_17, %dma_start3A] : memref<79x128xi32, #tpu.memory_space<vmem>> -> memref<1x128xi32, #tpu.memory_space<vmem>>
      %dma_start3A_19 = tpu.memref_squeeze %dma_start3A_18 : memref<1x128xi32, #tpu.memory_space<vmem>> -> memref<128xi32, #tpu.memory_space<vmem>>
      %dma_start3A_20 = arith.constant 0 : i32
      %dma_start3A_21 = arith.constant 0 : i32
      %dma_start3A_22 = tpu.memref_slice %arg2[%dma_start3A_20, %dma_start3A_21] : memref<10000x128xf32, #tpu.memory_space<hbm>> -> memref<10000x128xf32, #tpu.memory_space<hbm>>
      tpu.enqueue_indirect_dma source(%dma_start3A_22 : memref<10000x128xf32, #tpu.memory_space<hbm>>) target(%arg9 : memref<128x128xf32, #tpu.memory_space<vmem>>) offsets(%dma_start3A_19 : memref<128xi32, #tpu.memory_space<vmem>>) semaphore(%arg11 : memref<!tpu.dma_semaphore, #tpu.memory_space<semaphore_mem>>)
      %dma_wait3A = arith.constant 0 : i32
      %dma_wait3A_23 = tpu.memref_slice %arg7[%scan3A_17, %dma_wait3A] : memref<79x128xi32, #tpu.memory_space<vmem>> -> memref<1x128xi32, #tpu.memory_space<vmem>>
      %dma_wait3A_24 = tpu.memref_squeeze %dma_wait3A_23 : memref<1x128xi32, #tpu.memory_space<vmem>> -> memref<128xi32, #tpu.memory_space<vmem>>
      %dma_wait3A_25 = arith.constant 0 : i32
      %dma_wait3A_26 = arith.constant 0 : i32
      %dma_wait3A_27 = tpu.memref_slice %arg2[%dma_wait3A_25, %dma_wait3A_26] : memref<10000x128xf32, #tpu.memory_space<hbm>> -> memref<10000x128xf32, #tpu.memory_space<hbm>>
      tpu.wait_indirect_dma semaphore(%arg11 : memref<!tpu.dma_semaphore, #tpu.memory_space<semaphore_mem>>) src(%dma_wait3A_27 : memref<10000x128xf32, #tpu.memory_space<hbm>>) dst(%arg9 : memref<128x128xf32, #tpu.memory_space<vmem>>)
      "tpu.region"() ({
        %run_scoped3A = tpu.sem_alloc : memref<!tpu.dma_semaphore, #tpu.memory_space<semaphore_mem>>
        %dma_start3A_28 = arith.constant 0 : i32
        %dma_start3A_29 = tpu.memref_slice %arg8[%scan3A_17, %dma_start3A_28] : memref<79x128xi32, #tpu.memory_space<vmem>> -> memref<1x128xi32, #tpu.memory_space<vmem>>
        %dma_start3A_30 = tpu.memref_squeeze %dma_start3A_29 : memref<1x128xi32, #tpu.memory_space<vmem>> -> memref<128xi32, #tpu.memory_space<vmem>>
        %dma_start3A_31 = arith.constant 0 : i32
        %dma_start3A_32 = arith.constant 0 : i32
        %dma_start3A_33 = tpu.memref_slice %arg10[%dma_start3A_31, %dma_start3A_32] : memref<10112x128xf32, #tpu.memory_space<vmem_shared>> -> memref<10112x128xf32, #tpu.memory_space<vmem_shared>>
        tpu.enqueue_indirect_dma source(%arg9 : memref<128x128xf32, #tpu.memory_space<vmem>>) target(%dma_start3A_33 : memref<10112x128xf32, #tpu.memory_space<vmem_shared>>) offsets(%dma_start3A_30 : memref<128xi32, #tpu.memory_space<vmem>>) semaphore(%run_scoped3A : memref<!tpu.dma_semaphore, #tpu.memory_space<semaphore_mem>>) {add = true}
        %dma_wait3A_34 = arith.constant 0 : i32
        %dma_wait3A_35 = tpu.memref_slice %arg8[%scan3A_17, %dma_wait3A_34] : memref<79x128xi32, #tpu.memory_space<vmem>> -> memref<1x128xi32, #tpu.memory_space<vmem>>
        %dma_wait3A_36 = tpu.memref_squeeze %dma_wait3A_35 : memref<1x128xi32, #tpu.memory_space<vmem>> -> memref<128xi32, #tpu.memory_space<vmem>>
        %dma_wait3A_37 = arith.constant 0 : i32
        %dma_wait3A_38 = arith.constant 0 : i32
        %dma_wait3A_39 = tpu.memref_slice %arg10[%dma_wait3A_37, %dma_wait3A_38] : memref<10112x128xf32, #tpu.memory_space<vmem_shared>> -> memref<10112x128xf32, #tpu.memory_space<vmem_shared>>
        tpu.wait_indirect_dma semaphore(%run_scoped3A : memref<!tpu.dma_semaphore, #tpu.memory_space<semaphore_mem>>) src(%arg9 : memref<128x128xf32, #tpu.memory_space<vmem>>) dst(%dma_wait3A_39 : memref<10112x128xf32, #tpu.memory_space<vmem_shared>>)
        tpu.yield
      }) : () -> ()
    }
    %scan3A_9 = arith.constant 79 : i32
    %barrier3A_10 = arith.constant 0 : index
    tpu.barrier barrier_id(%barrier3A_10)
    %lt3A = arith.constant 15 : i32
    %lt3A_11 = arith.cmpi slt, %arg1, %lt3A : i32
    %convert_element_type3A = arith.extui %lt3A_11 : i1 to i32
    %cond3A = arith.constant 0 : i32
    %cond3A_12 = arith.cmpi ne, %convert_element_type3A, %cond3A : i32
    scf.if %cond3A_12 {
      %mul3A_17 = arith.constant 632 : i32
      %mul3A_18 = arith.muli %arg1, %mul3A_17 : i32
      %mul3A_19 = arith.constant 632 : i32
      %mul3A_20 = arith.muli %arg1, %mul3A_19 : i32
      "tpu.region"() ({
        %run_scoped3A = tpu.sem_alloc : memref<!tpu.dma_semaphore, #tpu.memory_space<semaphore_mem>>
        %dma_start3A = arith.constant 0 : i32
        %dma_start3A_21 = tpu.memref_slice %arg6[%arg0, %mul3A_20, %dma_start3A] : memref<2x10000x128xf32, #tpu.memory_space<hbm>> -> memref<1x632x128xf32, #tpu.memory_space<hbm>>
        %dma_start3A_22 = tpu.memref_squeeze %dma_start3A_21 : memref<1x632x128xf32, #tpu.memory_space<hbm>> -> memref<632x128xf32, #tpu.memory_space<hbm>>
        %dma_start3A_23 = arith.constant 0 : i32
        %dma_start3A_24 = tpu.memref_slice %arg10[%mul3A_18, %dma_start3A_23] : memref<10112x128xf32, #tpu.memory_space<vmem_shared>> -> memref<632x128xf32, #tpu.memory_space<vmem_shared>>
        tpu.enqueue_dma source(%dma_start3A_24 : memref<632x128xf32, #tpu.memory_space<vmem_shared>>) target(%dma_start3A_22 : memref<632x128xf32, #tpu.memory_space<hbm>>) target_semaphore(%run_scoped3A : memref<!tpu.dma_semaphore, #tpu.memory_space<semaphore_mem>>)
        %dma_wait3A = arith.constant 0 : i32
        %dma_wait3A_25 = tpu.memref_slice %arg6[%arg0, %mul3A_20, %dma_wait3A] : memref<2x10000x128xf32, #tpu.memory_space<hbm>> -> memref<1x632x128xf32, #tpu.memory_space<hbm>>
        %dma_wait3A_26 = tpu.memref_squeeze %dma_wait3A_25 : memref<1x632x128xf32, #tpu.memory_space<hbm>> -> memref<632x128xf32, #tpu.memory_space<hbm>>
        %dma_wait3A_27 = arith.constant 0 : i32
        %dma_wait3A_28 = tpu.memref_slice %arg10[%mul3A_18, %dma_wait3A_27] : memref<10112x128xf32, #tpu.memory_space<vmem_shared>> -> memref<632x128xf32, #tpu.memory_space<vmem_shared>>
        tpu.wait_dma2 semaphore(%run_scoped3A : memref<!tpu.dma_semaphore, #tpu.memory_space<semaphore_mem>>) src(%dma_wait3A_28 : memref<632x128xf32, #tpu.memory_space<vmem_shared>>) dst(%dma_wait3A_26 : memref<632x128xf32, #tpu.memory_space<hbm>>)
        tpu.yield
      }) : () -> ()
    } else {
    }
    %eq3A = arith.constant 15 : i32
    %eq3A_13 = arith.cmpi eq, %arg1, %eq3A : i32
    %convert_element_type3A_14 = arith.extui %eq3A_13 : i1 to i32
    %cond3A_15 = arith.constant 0 : i32
    %cond3A_16 = arith.cmpi ne, %convert_element_type3A_14, %cond3A_15 : i32
    scf.if %cond3A_16 {
      "tpu.region"() ({
        %run_scoped3A = tpu.sem_alloc : memref<!tpu.dma_semaphore, #tpu.memory_space<semaphore_mem>>
        %dma_start3A = arith.constant 9480 : i32
        %dma_start3A_17 = arith.constant 0 : i32
        %dma_start3A_18 = tpu.memref_slice %arg6[%arg0, %dma_start3A, %dma_start3A_17] : memref<2x10000x128xf32, #tpu.memory_space<hbm>> -> memref<1x520x128xf32, #tpu.memory_space<hbm>>
        %dma_start3A_19 = tpu.memref_squeeze %dma_start3A_18 : memref<1x520x128xf32, #tpu.memory_space<hbm>> -> memref<520x128xf32, #tpu.memory_space<hbm>>
        %dma_start3A_20 = arith.constant 9480 : i32
        %dma_start3A_21 = arith.constant 0 : i32
        %dma_start3A_22 = tpu.memref_slice %arg10[%dma_start3A_20, %dma_start3A_21] : memref<10112x128xf32, #tpu.memory_space<vmem_shared>> -> memref<520x128xf32, #tpu.memory_space<vmem_shared>>
        tpu.enqueue_dma source(%dma_start3A_22 : memref<520x128xf32, #tpu.memory_space<vmem_shared>>) target(%dma_start3A_19 : memref<520x128xf32, #tpu.memory_space<hbm>>) target_semaphore(%run_scoped3A : memref<!tpu.dma_semaphore, #tpu.memory_space<semaphore_mem>>)
        %dma_wait3A = arith.constant 9480 : i32
        %dma_wait3A_23 = arith.constant 0 : i32
        %dma_wait3A_24 = tpu.memref_slice %arg6[%arg0, %dma_wait3A, %dma_wait3A_23] : memref<2x10000x128xf32, #tpu.memory_space<hbm>> -> memref<1x520x128xf32, #tpu.memory_space<hbm>>
        %dma_wait3A_25 = tpu.memref_squeeze %dma_wait3A_24 : memref<1x520x128xf32, #tpu.memory_space<hbm>> -> memref<520x128xf32, #tpu.memory_space<hbm>>
        %dma_wait3A_26 = arith.constant 9480 : i32
        %dma_wait3A_27 = arith.constant 0 : i32
        %dma_wait3A_28 = tpu.memref_slice %arg10[%dma_wait3A_26, %dma_wait3A_27] : memref<10112x128xf32, #tpu.memory_space<vmem_shared>> -> memref<520x128xf32, #tpu.memory_space<vmem_shared>>
        tpu.wait_dma2 semaphore(%run_scoped3A : memref<!tpu.dma_semaphore, #tpu.memory_space<semaphore_mem>>) src(%dma_wait3A_28 : memref<520x128xf32, #tpu.memory_space<vmem_shared>>) dst(%dma_wait3A_25 : memref<520x128xf32, #tpu.memory_space<hbm>>)
        tpu.yield
      }) : () -> ()
    } else {
    }
    return
  }
}

module attributes {stable_mosaic.version = 14 : i64} {
  func.func @body(%arg0: i32, %arg1: memref<2000x128xf32, #tpu.memory_space<vmem>>, %arg2: memref<2x2000x128xf32, #tpu.memory_space<vmem>>, %arg3: memref<128x128xf32, #tpu.memory_space<vmem>>, %arg4: memref<1x128xf32, #tpu.memory_space<vmem>>, %arg5: memref<128x128xf32, #tpu.memory_space<vmem>>, %arg6: memref<1x128xf32, #tpu.memory_space<vmem>>, %arg7: memref<1x128xf32, #tpu.memory_space<vmem>>, %arg8: memref<1x128xf32, #tpu.memory_space<vmem>>, %arg9: memref<2000x128xf32, #tpu.memory_space<vmem>>) attributes {dimension_semantics = [#tpu.dimension_semantics<arbitrary>], iteration_bounds = array<i64: 5>, scalar_prefetch = 0 : i64, scratch_operands = 0 : i64, tpu.core_type = #tpu.core_type<tc>, window_params = [{transform_indices = @transform_0, window_bounds = array<i64: 2000, 128>}, {transform_indices = @transform_1, window_bounds = array<i64: 2, 2000, 128>}, {pipeline_mode = #tpu.pipeline_mode<synchronous>, transform_indices = @transform_2, window_bounds = array<i64: 128, 128>}, {pipeline_mode = #tpu.pipeline_mode<synchronous>, transform_indices = @transform_3, window_bounds = array<i64: 1, 128>}, {pipeline_mode = #tpu.pipeline_mode<synchronous>, transform_indices = @transform_4, window_bounds = array<i64: 128, 128>}, {pipeline_mode = #tpu.pipeline_mode<synchronous>, transform_indices = @transform_5, window_bounds = array<i64: 1, 128>}, {pipeline_mode = #tpu.pipeline_mode<synchronous>, transform_indices = @transform_6, window_bounds = array<i64: 1, 128>}, {pipeline_mode = #tpu.pipeline_mode<synchronous>, transform_indices = @transform_7, window_bounds = array<i64: 1, 128>}, {transform_indices = @transform_8, window_bounds = array<i64: 2000, 128>}]} {
    %get3A = arith.constant 0 : index
    %get3A_0 = arith.constant 0 : index
    %get3A_1 = vector.load %arg1[%get3A, %get3A_0] : memref<2000x128xf32, #tpu.memory_space<vmem>>, vector<2000x128xf32>
    %get3A_2 = arith.constant 0 : index
    %get3A_3 = arith.constant 0 : index
    %get3A_4 = arith.constant 0 : index
    %get3A_5 = vector.load %arg2[%get3A_2, %get3A_3, %get3A_4] : memref<2x2000x128xf32, #tpu.memory_space<vmem>>, vector<1x2000x128xf32>
    %get3A_6 = vector.shape_cast %get3A_5 : vector<1x2000x128xf32> to vector<2000x128xf32>
    %add3A = arith.addf %get3A_1, %get3A_6 : vector<2000x128xf32>
    %get3A_7 = arith.constant 1 : index
    %get3A_8 = arith.constant 0 : index
    %get3A_9 = arith.constant 0 : index
    %get3A_10 = vector.load %arg2[%get3A_7, %get3A_8, %get3A_9] : memref<2x2000x128xf32, #tpu.memory_space<vmem>>, vector<1x2000x128xf32>
    %get3A_11 = vector.shape_cast %get3A_10 : vector<1x2000x128xf32> to vector<2000x128xf32>
    %add3A_12 = arith.addf %add3A, %get3A_11 : vector<2000x128xf32>
    %get3A_13 = arith.constant 0 : index
    %get3A_14 = arith.constant 0 : index
    %get3A_15 = vector.load %arg3[%get3A_13, %get3A_14] : memref<128x128xf32, #tpu.memory_space<vmem>>, vector<128x128xf32>
    %dot_general3A = arith.constant dense<0.000000e+00> : vector<2000x128xf32>
    %dot_general3A_16 = tpu.matmul %add3A_12, %get3A_15, %dot_general3A {dimension_numbers = #tpu.dot_dimension_numbers<[1], [0], [0], [1], [0, 0, 1, 1], [], []>, transpose_lhs_hint = false} : vector<2000x128xf32>, vector<128x128xf32>, vector<2000x128xf32> -> vector<2000x128xf32>
    %get3A_17 = arith.constant 0 : index
    %get3A_18 = arith.constant 0 : index
    %get3A_19 = vector.load %arg4[%get3A_17, %get3A_18] : memref<1x128xf32, #tpu.memory_space<vmem>>, vector<1x128xf32>
    %add3A_20 = vector.broadcast %get3A_19 : vector<1x128xf32> to vector<2000x128xf32>
    %add3A_21 = arith.addf %dot_general3A_16, %add3A_20 : vector<2000x128xf32>
    %ge3A = arith.constant 0.000000e+00 : f32
    %ge3A_22 = vector.broadcast %ge3A : f32 to vector<2000x128xf32>
    %ge3A_23 = arith.cmpf oge, %add3A_21, %ge3A_22 : vector<2000x128xf32>
    %mul3A = arith.constant 0.00999999977 : f32
    %mul3A_24 = vector.broadcast %mul3A : f32 to vector<2000x128xf32>
    %mul3A_25 = arith.mulf %mul3A_24, %add3A_21 : vector<2000x128xf32>
    %select_n3A = arith.select %ge3A_23, %add3A_21, %mul3A_25 : vector<2000x128xi1>, vector<2000x128xf32>
    %get3A_26 = arith.constant 0 : index
    %get3A_27 = arith.constant 0 : index
    %get3A_28 = vector.load %arg5[%get3A_26, %get3A_27] : memref<128x128xf32, #tpu.memory_space<vmem>>, vector<128x128xf32>
    %dot_general3A_29 = arith.constant dense<0.000000e+00> : vector<2000x128xf32>
    %dot_general3A_30 = tpu.matmul %select_n3A, %get3A_28, %dot_general3A_29 {dimension_numbers = #tpu.dot_dimension_numbers<[1], [0], [0], [1], [0, 0, 1, 1], [], []>, transpose_lhs_hint = false} : vector<2000x128xf32>, vector<128x128xf32>, vector<2000x128xf32> -> vector<2000x128xf32>
    %get3A_31 = arith.constant 0 : index
    %get3A_32 = arith.constant 0 : index
    %get3A_33 = vector.load %arg6[%get3A_31, %get3A_32] : memref<1x128xf32, #tpu.memory_space<vmem>>, vector<1x128xf32>
    %add3A_34 = vector.broadcast %get3A_33 : vector<1x128xf32> to vector<2000x128xf32>
    %add3A_35 = arith.addf %dot_general3A_30, %add3A_34 : vector<2000x128xf32>
    %ge3A_36 = arith.constant 0.000000e+00 : f32
    %ge3A_37 = vector.broadcast %ge3A_36 : f32 to vector<2000x128xf32>
    %ge3A_38 = arith.cmpf oge, %add3A_35, %ge3A_37 : vector<2000x128xf32>
    %mul3A_39 = arith.constant 0.00999999977 : f32
    %mul3A_40 = vector.broadcast %mul3A_39 : f32 to vector<2000x128xf32>
    %mul3A_41 = arith.mulf %mul3A_40, %add3A_35 : vector<2000x128xf32>
    %select_n3A_42 = arith.select %ge3A_38, %add3A_35, %mul3A_41 : vector<2000x128xi1>, vector<2000x128xf32>
    %reduce_sum3A = arith.constant dense<0.000000e+00> : vector<2000xf32>
    %reduce_sum3A_43 = vector.multi_reduction <add>, %select_n3A_42, %reduce_sum3A [1] : vector<2000x128xf32> to vector<2000xf32>
    %broadcast_in_dim3A = vector.shape_cast %reduce_sum3A_43 : vector<2000xf32> to vector<2000x1xf32>
    %div3A = arith.constant 1.280000e+02 : f32
    %div3A_44 = vector.broadcast %div3A : f32 to vector<2000x1xf32>
    %div3A_45 = arith.divf %broadcast_in_dim3A, %div3A_44 : vector<2000x1xf32>
    %sub3A = vector.broadcast %div3A_45 : vector<2000x1xf32> to vector<2000x128xf32>
    %sub3A_46 = arith.subf %select_n3A_42, %sub3A : vector<2000x128xf32>
    %sub3A_47 = vector.broadcast %div3A_45 : vector<2000x1xf32> to vector<2000x128xf32>
    %sub3A_48 = arith.subf %select_n3A_42, %sub3A_47 : vector<2000x128xf32>
    %mul3A_49 = arith.mulf %sub3A_46, %sub3A_48 : vector<2000x128xf32>
    %reduce_sum3A_50 = arith.constant dense<0.000000e+00> : vector<2000xf32>
    %reduce_sum3A_51 = vector.multi_reduction <add>, %mul3A_49, %reduce_sum3A_50 [1] : vector<2000x128xf32> to vector<2000xf32>
    %broadcast_in_dim3A_52 = vector.shape_cast %reduce_sum3A_51 : vector<2000xf32> to vector<2000x1xf32>
    %div3A_53 = arith.constant 1.280000e+02 : f32
    %div3A_54 = vector.broadcast %div3A_53 : f32 to vector<2000x1xf32>
    %div3A_55 = arith.divf %broadcast_in_dim3A_52, %div3A_54 : vector<2000x1xf32>
    %sub3A_56 = vector.broadcast %div3A_45 : vector<2000x1xf32> to vector<2000x128xf32>
    %sub3A_57 = arith.subf %select_n3A_42, %sub3A_56 : vector<2000x128xf32>
    %add3A_58 = arith.constant 9.99999974E-6 : f32
    %add3A_59 = vector.broadcast %add3A_58 : f32 to vector<2000x1xf32>
    %add3A_60 = arith.addf %div3A_55, %add3A_59 : vector<2000x1xf32>
    %rsqrt3A = math.rsqrt %add3A_60 : vector<2000x1xf32>
    %mul3A_61 = vector.broadcast %rsqrt3A : vector<2000x1xf32> to vector<2000x128xf32>
    %mul3A_62 = arith.mulf %sub3A_57, %mul3A_61 : vector<2000x128xf32>
    %get3A_63 = arith.constant 0 : index
    %get3A_64 = arith.constant 0 : index
    %get3A_65 = vector.load %arg7[%get3A_63, %get3A_64] : memref<1x128xf32, #tpu.memory_space<vmem>>, vector<1x128xf32>
    %mul3A_66 = vector.broadcast %get3A_65 : vector<1x128xf32> to vector<2000x128xf32>
    %mul3A_67 = arith.mulf %mul3A_62, %mul3A_66 : vector<2000x128xf32>
    %get3A_68 = arith.constant 0 : index
    %get3A_69 = arith.constant 0 : index
    %get3A_70 = vector.load %arg8[%get3A_68, %get3A_69] : memref<1x128xf32, #tpu.memory_space<vmem>>, vector<1x128xf32>
    %add3A_71 = vector.broadcast %get3A_70 : vector<1x128xf32> to vector<2000x128xf32>
    %add3A_72 = arith.addf %mul3A_67, %add3A_71 : vector<2000x128xf32>
    %swap3A = arith.constant 0 : index
    %swap3A_73 = arith.constant 0 : index
    %swap3A_74 = vector.load %arg9[%swap3A, %swap3A_73] : memref<2000x128xf32, #tpu.memory_space<vmem>>, vector<2000x128xf32>
    tpu.vector_store %arg9[%swap3A, %swap3A_73], %add3A_72 {strides = array<i32>} : memref<2000x128xf32, #tpu.memory_space<vmem>>, vector<2000x128xf32>,
    return
  }
  func.func @transform_0(%arg0: i32) -> (i32, i32) {
    %c0_i32 = arith.constant 0 : i32
    %c0_i32_0 = arith.constant 0 : i32
    return %arg0, %c0_i32 : i32, i32
  }
  func.func @transform_1(%arg0: i32) -> (i32, i32, i32) {
    %c0_i32 = arith.constant 0 : i32
    %c0_i32_0 = arith.constant 0 : i32
    %c0_i32_1 = arith.constant 0 : i32
    return %c0_i32, %arg0, %c0_i32_0 : i32, i32, i32
  }
  func.func @transform_2(%arg0: i32) -> (i32, i32) {
    %c0_i32 = arith.constant 0 : i32
    %c0_i32_0 = arith.constant 0 : i32
    %c0_i32_1 = arith.constant 0 : i32
    return %c0_i32, %c0_i32_0 : i32, i32
  }
  func.func @transform_3(%arg0: i32) -> (i32, i32) {
    %c0_i32 = arith.constant 0 : i32
    %c0_i32_0 = arith.constant 0 : i32
    %c0_i32_1 = arith.constant 0 : i32
    return %c0_i32, %c0_i32_0 : i32, i32
  }
  func.func @transform_4(%arg0: i32) -> (i32, i32) {
    %c0_i32 = arith.constant 0 : i32
    %c0_i32_0 = arith.constant 0 : i32
    %c0_i32_1 = arith.constant 0 : i32
    return %c0_i32, %c0_i32_0 : i32, i32
  }
  func.func @transform_5(%arg0: i32) -> (i32, i32) {
    %c0_i32 = arith.constant 0 : i32
    %c0_i32_0 = arith.constant 0 : i32
    %c0_i32_1 = arith.constant 0 : i32
    return %c0_i32, %c0_i32_0 : i32, i32
  }
  func.func @transform_6(%arg0: i32) -> (i32, i32) {
    %c0_i32 = arith.constant 0 : i32
    %c0_i32_0 = arith.constant 0 : i32
    %c0_i32_1 = arith.constant 0 : i32
    return %c0_i32, %c0_i32_0 : i32, i32
  }
  func.func @transform_7(%arg0: i32) -> (i32, i32) {
    %c0_i32 = arith.constant 0 : i32
    %c0_i32_0 = arith.constant 0 : i32
    %c0_i32_1 = arith.constant 0 : i32
    return %c0_i32, %c0_i32_0 : i32, i32
  }
  func.func @transform_8(%arg0: i32) -> (i32, i32) {
    %c0_i32 = arith.constant 0 : i32
    %c0_i32_0 = arith.constant 0 : i32
    return %arg0, %c0_i32 : i32, i32
  }
}

module attributes {stable_mosaic.version = 14 : i64} {
  func.func @body(%arg0: i32, %arg1: memref<2000x128xf32, #tpu.memory_space<vmem>>, %arg2: memref<2x2000x128xf32, #tpu.memory_space<vmem>>, %arg3: memref<128x128xf32, #tpu.memory_space<vmem>>, %arg4: memref<1x128xf32, #tpu.memory_space<vmem>>, %arg5: memref<128x128xf32, #tpu.memory_space<vmem>>, %arg6: memref<1x128xf32, #tpu.memory_space<vmem>>, %arg7: memref<2000x1xi32, #tpu.memory_space<vmem>>, %arg8: memref<128x128xf32, #tpu.memory_space<vmem>>, %arg9: memref<1x128xf32, #tpu.memory_space<vmem>>, %arg10: memref<128x128xf32, #tpu.memory_space<vmem>>, %arg11: memref<1x128xf32, #tpu.memory_space<vmem>>, %arg12: memref<2000x128xf32, #tpu.memory_space<vmem>>, %arg13: memref<64x128xf32, #tpu.memory_space<vmem>>, %arg14: memref<64x128xf32, #tpu.memory_space<vmem>>, %arg15: memref<64x128xf32, #tpu.memory_space<vmem>>) attributes {dimension_semantics = [#tpu.dimension_semantics<arbitrary>], iteration_bounds = array<i64: 5>, scalar_prefetch = 0 : i64, scratch_operands = 2 : i64, tpu.core_type = #tpu.core_type<tc>, window_params = [{transform_indices = @transform_0, window_bounds = array<i64: 2000, 128>}, {transform_indices = @transform_1, window_bounds = array<i64: 2, 2000, 128>}, {pipeline_mode = #tpu.pipeline_mode<synchronous>, transform_indices = @transform_2, window_bounds = array<i64: 128, 128>}, {pipeline_mode = #tpu.pipeline_mode<synchronous>, transform_indices = @transform_3, window_bounds = array<i64: 1, 128>}, {pipeline_mode = #tpu.pipeline_mode<synchronous>, transform_indices = @transform_4, window_bounds = array<i64: 128, 128>}, {pipeline_mode = #tpu.pipeline_mode<synchronous>, transform_indices = @transform_5, window_bounds = array<i64: 1, 128>}, {transform_indices = @transform_6, window_bounds = array<i64: 2000, 1>}, {pipeline_mode = #tpu.pipeline_mode<synchronous>, transform_indices = @transform_7, window_bounds = array<i64: 128, 128>}, {pipeline_mode = #tpu.pipeline_mode<synchronous>, transform_indices = @transform_8, window_bounds = array<i64: 1, 128>}, {pipeline_mode = #tpu.pipeline_mode<synchronous>, transform_indices = @transform_9, window_bounds = array<i64: 128, 128>}, {pipeline_mode = #tpu.pipeline_mode<synchronous>, transform_indices = @transform_10, window_bounds = array<i64: 1, 128>}, {transform_indices = @transform_11, window_bounds = array<i64: 2000, 128>}, {pipeline_mode = #tpu.pipeline_mode<synchronous>, transform_indices = @transform_12, window_bounds = array<i64: 64, 128>}]} {
    %eq3A = arith.constant 0 : i32
    %eq3A_0 = arith.cmpi eq, %arg0, %eq3A : i32
    %convert_element_type3A = arith.extui %eq3A_0 : i1 to i32
    %cond3A = arith.constant 0 : i32
    %cond3A_1 = arith.cmpi ne, %convert_element_type3A, %cond3A : i32
    scf.if %cond3A_1 {
      %broadcast_in_dim3A_79 = arith.constant 0.000000e+00 : f32
      %broadcast_in_dim3A_80 = vector.broadcast %broadcast_in_dim3A_79 : f32 to vector<64x128xf32>
      %swap3A_81 = arith.constant 0 : index
      %swap3A_82 = arith.constant 0 : index
      %swap3A_83 = vector.load %arg14[%swap3A_81, %swap3A_82] : memref<64x128xf32, #tpu.memory_space<vmem>>, vector<64x128xf32>
      tpu.vector_store %arg14[%swap3A_81, %swap3A_82], %broadcast_in_dim3A_80 {strides = array<i32>} : memref<64x128xf32, #tpu.memory_space<vmem>>, vector<64x128xf32>,
      %broadcast_in_dim3A_84 = arith.constant 0.000000e+00 : f32
      %broadcast_in_dim3A_85 = vector.broadcast %broadcast_in_dim3A_84 : f32 to vector<64x128xf32>
      %swap3A_86 = arith.constant 0 : index
      %swap3A_87 = arith.constant 0 : index
      %swap3A_88 = vector.load %arg15[%swap3A_86, %swap3A_87] : memref<64x128xf32, #tpu.memory_space<vmem>>, vector<64x128xf32>
      tpu.vector_store %arg15[%swap3A_86, %swap3A_87], %broadcast_in_dim3A_85 {strides = array<i32>} : memref<64x128xf32, #tpu.memory_space<vmem>>, vector<64x128xf32>,
    } else {
    }
    %get3A = arith.constant 0 : index
    %get3A_2 = arith.constant 0 : index
    %get3A_3 = vector.load %arg1[%get3A, %get3A_2] : memref<2000x128xf32, #tpu.memory_space<vmem>>, vector<2000x128xf32>
    %get3A_4 = arith.constant 0 : index
    %get3A_5 = arith.constant 0 : index
    %get3A_6 = arith.constant 0 : index
    %get3A_7 = vector.load %arg2[%get3A_4, %get3A_5, %get3A_6] : memref<2x2000x128xf32, #tpu.memory_space<vmem>>, vector<1x2000x128xf32>
    %get3A_8 = vector.shape_cast %get3A_7 : vector<1x2000x128xf32> to vector<2000x128xf32>
    %add3A = arith.addf %get3A_3, %get3A_8 : vector<2000x128xf32>
    %get3A_9 = arith.constant 1 : index
    %get3A_10 = arith.constant 0 : index
    %get3A_11 = arith.constant 0 : index
    %get3A_12 = vector.load %arg2[%get3A_9, %get3A_10, %get3A_11] : memref<2x2000x128xf32, #tpu.memory_space<vmem>>, vector<1x2000x128xf32>
    %get3A_13 = vector.shape_cast %get3A_12 : vector<1x2000x128xf32> to vector<2000x128xf32>
    %add3A_14 = arith.addf %add3A, %get3A_13 : vector<2000x128xf32>
    %get3A_15 = arith.constant 0 : index
    %get3A_16 = arith.constant 0 : index
    %get3A_17 = vector.load %arg3[%get3A_15, %get3A_16] : memref<128x128xf32, #tpu.memory_space<vmem>>, vector<128x128xf32>
    %dot_general3A = arith.constant dense<0.000000e+00> : vector<2000x128xf32>
    %dot_general3A_18 = tpu.matmul %add3A_14, %get3A_17, %dot_general3A {dimension_numbers = #tpu.dot_dimension_numbers<[1], [0], [0], [1], [0, 0, 1, 1], [], []>, transpose_lhs_hint = false} : vector<2000x128xf32>, vector<128x128xf32>, vector<2000x128xf32> -> vector<2000x128xf32>
    %get3A_19 = arith.constant 0 : index
    %get3A_20 = arith.constant 0 : index
    %get3A_21 = vector.load %arg4[%get3A_19, %get3A_20] : memref<1x128xf32, #tpu.memory_space<vmem>>, vector<1x128xf32>
    %add3A_22 = vector.broadcast %get3A_21 : vector<1x128xf32> to vector<2000x128xf32>
    %add3A_23 = arith.addf %dot_general3A_18, %add3A_22 : vector<2000x128xf32>
    %ge3A = arith.constant 0.000000e+00 : f32
    %ge3A_24 = vector.broadcast %ge3A : f32 to vector<2000x128xf32>
    %ge3A_25 = arith.cmpf oge, %add3A_23, %ge3A_24 : vector<2000x128xf32>
    %mul3A = arith.constant 0.00999999977 : f32
    %mul3A_26 = vector.broadcast %mul3A : f32 to vector<2000x128xf32>
    %mul3A_27 = arith.mulf %mul3A_26, %add3A_23 : vector<2000x128xf32>
    %select_n3A = arith.select %ge3A_25, %add3A_23, %mul3A_27 : vector<2000x128xi1>, vector<2000x128xf32>
    %get3A_28 = arith.constant 0 : index
    %get3A_29 = arith.constant 0 : index
    %get3A_30 = vector.load %arg5[%get3A_28, %get3A_29] : memref<128x128xf32, #tpu.memory_space<vmem>>, vector<128x128xf32>
    %dot_general3A_31 = arith.constant dense<0.000000e+00> : vector<2000x128xf32>
    %dot_general3A_32 = tpu.matmul %select_n3A, %get3A_30, %dot_general3A_31 {dimension_numbers = #tpu.dot_dimension_numbers<[1], [0], [0], [1], [0, 0, 1, 1], [], []>, transpose_lhs_hint = false} : vector<2000x128xf32>, vector<128x128xf32>, vector<2000x128xf32> -> vector<2000x128xf32>
    %get3A_33 = arith.constant 0 : index
    %get3A_34 = arith.constant 0 : index
    %get3A_35 = vector.load %arg6[%get3A_33, %get3A_34] : memref<1x128xf32, #tpu.memory_space<vmem>>, vector<1x128xf32>
    %add3A_36 = vector.broadcast %get3A_35 : vector<1x128xf32> to vector<2000x128xf32>
    %add3A_37 = arith.addf %dot_general3A_32, %add3A_36 : vector<2000x128xf32>
    %swap3A = arith.constant 0 : index
    %swap3A_38 = arith.constant 0 : index
    %swap3A_39 = vector.load %arg12[%swap3A, %swap3A_38] : memref<2000x128xf32, #tpu.memory_space<vmem>>, vector<2000x128xf32>
    tpu.vector_store %arg12[%swap3A, %swap3A_38], %add3A_37 {strides = array<i32>} : memref<2000x128xf32, #tpu.memory_space<vmem>>, vector<2000x128xf32>,
    %ge3A_40 = arith.constant 0.000000e+00 : f32
    %ge3A_41 = vector.broadcast %ge3A_40 : f32 to vector<2000x128xf32>
    %ge3A_42 = arith.cmpf oge, %add3A_37, %ge3A_41 : vector<2000x128xf32>
    %mul3A_43 = arith.constant 0.00999999977 : f32
    %mul3A_44 = vector.broadcast %mul3A_43 : f32 to vector<2000x128xf32>
    %mul3A_45 = arith.mulf %mul3A_44, %add3A_37 : vector<2000x128xf32>
    %select_n3A_46 = arith.select %ge3A_42, %add3A_37, %mul3A_45 : vector<2000x128xi1>, vector<2000x128xf32>
    %get3A_47 = arith.constant 0 : index
    %get3A_48 = arith.constant 0 : index
    %get3A_49 = vector.load %arg7[%get3A_47, %get3A_48] : memref<2000x1xi32, #tpu.memory_space<vmem>>, vector<2000x1xi32>
    %iota3A = tpu.iota {dimensions = array<i32: 1>} : vector<1x64xi32>
    %eq3A_50 = vector.broadcast %get3A_49 : vector<2000x1xi32> to vector<2000x64xi32>
    %eq3A_51 = vector.broadcast %iota3A : vector<1x64xi32> to vector<2000x64xi32>
    %eq3A_52 = arith.cmpi eq, %eq3A_50, %eq3A_51 : vector<2000x64xi32>
    %convert_element_type3A_53 = arith.extui %eq3A_52 : vector<2000x64xi1> to vector<2000x64xi32>
    %convert_element_type3A_54 = arith.sitofp %convert_element_type3A_53 : vector<2000x64xi32> to vector<2000x64xf32>
    %get3A_55 = arith.constant 0 : index
    %get3A_56 = arith.constant 0 : index
    %get3A_57 = vector.load %arg14[%get3A_55, %get3A_56] : memref<64x128xf32, #tpu.memory_space<vmem>>, vector<64x128xf32>
    %dot_general3A_58 = arith.constant dense<0.000000e+00> : vector<64x128xf32>
    %dot_general3A_59 = tpu.matmul %convert_element_type3A_54, %select_n3A_46, %dot_general3A_58 {dimension_numbers = #tpu.dot_dimension_numbers<[0], [0], [1], [1], [0, 1, 1, 1], [], []>, transpose_lhs_hint = false} : vector<2000x64xf32>, vector<2000x128xf32>, vector<64x128xf32> -> vector<64x128xf32>
    %add3A_60 = arith.addf %get3A_57, %dot_general3A_59 : vector<64x128xf32>
    %swap3A_61 = arith.constant 0 : index
    %swap3A_62 = arith.constant 0 : index
    %swap3A_63 = vector.load %arg14[%swap3A_61, %swap3A_62] : memref<64x128xf32, #tpu.memory_space<vmem>>, vector<64x128xf32>
    tpu.vector_store %arg14[%swap3A_61, %swap3A_62], %add3A_60 {strides = array<i32>} : memref<64x128xf32, #tpu.memory_space<vmem>>, vector<64x128xf32>,
    %get3A_64 = arith.constant 0 : index
    %get3A_65 = arith.constant 0 : index
    %get3A_66 = vector.load %arg15[%get3A_64, %get3A_65] : memref<64x128xf32, #tpu.memory_space<vmem>>, vector<64x128xf32>
    %broadcast_in_dim3A = arith.constant 1.000000e+00 : f32
    %broadcast_in_dim3A_67 = vector.broadcast %broadcast_in_dim3A : f32 to vector<2000x128xf32>
    %dot_general3A_68 = arith.constant dense<0.000000e+00> : vector<64x128xf32>
    %dot_general3A_69 = tpu.matmul %convert_element_type3A_54, %broadcast_in_dim3A_67, %dot_general3A_68 {dimension_numbers = #tpu.dot_dimension_numbers<[0], [0], [1], [1], [0, 1, 1, 1], [], []>, transpose_lhs_hint = false} : vector<2000x64xf32>, vector<2000x128xf32>, vector<64x128xf32> -> vector<64x128xf32>
    %add3A_70 = arith.addf %get3A_66, %dot_general3A_69 : vector<64x128xf32>
    %swap3A_71 = arith.constant 0 : index
    %swap3A_72 = arith.constant 0 : index
    %swap3A_73 = vector.load %arg15[%swap3A_71, %swap3A_72] : memref<64x128xf32, #tpu.memory_space<vmem>>, vector<64x128xf32>
    tpu.vector_store %arg15[%swap3A_71, %swap3A_72], %add3A_70 {strides = array<i32>} : memref<64x128xf32, #tpu.memory_space<vmem>>, vector<64x128xf32>,
    %eq3A_74 = arith.constant 4 : i32
    %eq3A_75 = arith.cmpi eq, %arg0, %eq3A_74 : i32
    %convert_element_type3A_76 = arith.extui %eq3A_75 : i1 to i32
    %cond3A_77 = arith.constant 0 : i32
    %cond3A_78 = arith.cmpi ne, %convert_element_type3A_76, %cond3A_77 : i32
    scf.if %cond3A_78 {
      %get3A_79 = arith.constant 0 : index
      %get3A_80 = arith.constant 0 : index
      %get3A_81 = vector.load %arg14[%get3A_79, %get3A_80] : memref<64x128xf32, #tpu.memory_space<vmem>>, vector<64x128xf32>
      %get3A_82 = arith.constant 0 : index
      %get3A_83 = arith.constant 0 : index
      %get3A_84 = vector.load %arg15[%get3A_82, %get3A_83] : memref<64x128xf32, #tpu.memory_space<vmem>>, vector<64x128xf32>
      %max3A = arith.constant 1.000000e+00 : f32
      %max3A_85 = vector.broadcast %max3A : f32 to vector<64x128xf32>
      %max3A_86 = arith.maximumf %get3A_84, %max3A_85 : vector<64x128xf32>
      %div3A = arith.divf %get3A_81, %max3A_86 : vector<64x128xf32>
      %get3A_87 = arith.constant 0 : index
      %get3A_88 = arith.constant 0 : index
      %get3A_89 = vector.load %arg8[%get3A_87, %get3A_88] : memref<128x128xf32, #tpu.memory_space<vmem>>, vector<128x128xf32>
      %dot_general3A_90 = arith.constant dense<0.000000e+00> : vector<64x128xf32>
      %dot_general3A_91 = tpu.matmul %div3A, %get3A_89, %dot_general3A_90 {dimension_numbers = #tpu.dot_dimension_numbers<[1], [0], [0], [1], [0, 0, 1, 1], [], []>, transpose_lhs_hint = false} : vector<64x128xf32>, vector<128x128xf32>, vector<64x128xf32> -> vector<64x128xf32>
      %get3A_92 = arith.constant 0 : index
      %get3A_93 = arith.constant 0 : index
      %get3A_94 = vector.load %arg9[%get3A_92, %get3A_93] : memref<1x128xf32, #tpu.memory_space<vmem>>, vector<1x128xf32>
      %add3A_95 = vector.broadcast %get3A_94 : vector<1x128xf32> to vector<64x128xf32>
      %add3A_96 = arith.addf %dot_general3A_91, %add3A_95 : vector<64x128xf32>
      %get3A_97 = arith.constant 0 : index
      %get3A_98 = arith.constant 0 : index
      %get3A_99 = vector.load %arg10[%get3A_97, %get3A_98] : memref<128x128xf32, #tpu.memory_space<vmem>>, vector<128x128xf32>
      %dot_general3A_100 = arith.constant dense<0.000000e+00> : vector<64x128xf32>
      %dot_general3A_101 = tpu.matmul %add3A_96, %get3A_99, %dot_general3A_100 {dimension_numbers = #tpu.dot_dimension_numbers<[1], [0], [0], [1], [0, 0, 1, 1], [], []>, transpose_lhs_hint = false} : vector<64x128xf32>, vector<128x128xf32>, vector<64x128xf32> -> vector<64x128xf32>
      %get3A_102 = arith.constant 0 : index
      %get3A_103 = arith.constant 0 : index
      %get3A_104 = vector.load %arg11[%get3A_102, %get3A_103] : memref<1x128xf32, #tpu.memory_space<vmem>>, vector<1x128xf32>
      %add3A_105 = vector.broadcast %get3A_104 : vector<1x128xf32> to vector<64x128xf32>
      %add3A_106 = arith.addf %dot_general3A_101, %add3A_105 : vector<64x128xf32>
      %reduce_max3A = arith.constant dense<0xFF800000> : vector<64xf32>
      %reduce_max3A_107 = vector.multi_reduction <maximumf>, %add3A_106, %reduce_max3A [1] : vector<64x128xf32> to vector<64xf32>
      %broadcast_in_dim3A_108 = vector.shape_cast %reduce_max3A_107 : vector<64xf32> to vector<64x1xf32>
      %sub3A = vector.broadcast %broadcast_in_dim3A_108 : vector<64x1xf32> to vector<64x128xf32>
      %sub3A_109 = arith.subf %add3A_106, %sub3A : vector<64x128xf32>
      %exp3A = math.exp %sub3A_109 : vector<64x128xf32>
      %reduce_sum3A = arith.constant dense<0.000000e+00> : vector<64xf32>
      %reduce_sum3A_110 = vector.multi_reduction <add>, %exp3A, %reduce_sum3A [1] : vector<64x128xf32> to vector<64xf32>
      %broadcast_in_dim3A_111 = vector.shape_cast %reduce_sum3A_110 : vector<64xf32> to vector<64x1xf32>
      %log3A = math.log %broadcast_in_dim3A_111 : vector<64x1xf32>
      %sub3A_112 = vector.broadcast %broadcast_in_dim3A_108 : vector<64x1xf32> to vector<64x128xf32>
      %sub3A_113 = arith.subf %add3A_106, %sub3A_112 : vector<64x128xf32>
      %sub3A_114 = vector.broadcast %log3A : vector<64x1xf32> to vector<64x128xf32>
      %sub3A_115 = arith.subf %sub3A_113, %sub3A_114 : vector<64x128xf32>
      %swap3A_116 = arith.constant 0 : index
      %swap3A_117 = arith.constant 0 : index
      %swap3A_118 = vector.load %arg13[%swap3A_116, %swap3A_117] : memref<64x128xf32, #tpu.memory_space<vmem>>, vector<64x128xf32>
      tpu.vector_store %arg13[%swap3A_116, %swap3A_117], %sub3A_115 {strides = array<i32>} : memref<64x128xf32, #tpu.memory_space<vmem>>, vector<64x128xf32>,
    } else {
    }
    return
  }
  func.func @transform_0(%arg0: i32) -> (i32, i32) {
    %c0_i32 = arith.constant 0 : i32
    %c0_i32_0 = arith.constant 0 : i32
    return %arg0, %c0_i32 : i32, i32
  }
  func.func @transform_1(%arg0: i32) -> (i32, i32, i32) {
    %c0_i32 = arith.constant 0 : i32
    %c0_i32_0 = arith.constant 0 : i32
    %c0_i32_1 = arith.constant 0 : i32
    return %c0_i32, %arg0, %c0_i32_0 : i32, i32, i32
  }
  func.func @transform_2(%arg0: i32) -> (i32, i32) {
    %c0_i32 = arith.constant 0 : i32
    %c0_i32_0 = arith.constant 0 : i32
    %c0_i32_1 = arith.constant 0 : i32
    return %c0_i32, %c0_i32_0 : i32, i32
  }
  func.func @transform_3(%arg0: i32) -> (i32, i32) {
    %c0_i32 = arith.constant 0 : i32
    %c0_i32_0 = arith.constant 0 : i32
    %c0_i32_1 = arith.constant 0 : i32
    return %c0_i32, %c0_i32_0 : i32, i32
  }
  func.func @transform_4(%arg0: i32) -> (i32, i32) {
    %c0_i32 = arith.constant 0 : i32
    %c0_i32_0 = arith.constant 0 : i32
    %c0_i32_1 = arith.constant 0 : i32
    return %c0_i32, %c0_i32_0 : i32, i32
  }
  func.func @transform_5(%arg0: i32) -> (i32, i32) {
    %c0_i32 = arith.constant 0 : i32
    %c0_i32_0 = arith.constant 0 : i32
    %c0_i32_1 = arith.constant 0 : i32
    return %c0_i32, %c0_i32_0 : i32, i32
  }
  func.func @transform_6(%arg0: i32) -> (i32, i32) {
    %c0_i32 = arith.constant 0 : i32
    %c0_i32_0 = arith.constant 0 : i32
    return %arg0, %c0_i32 : i32, i32
  }
  func.func @transform_7(%arg0: i32) -> (i32, i32) {
    %c0_i32 = arith.constant 0 : i32
    %c0_i32_0 = arith.constant 0 : i32
    %c0_i32_1 = arith.constant 0 : i32
    return %c0_i32, %c0_i32_0 : i32, i32
  }
  func.func @transform_8(%arg0: i32) -> (i32, i32) {
    %c0_i32 = arith.constant 0 : i32
    %c0_i32_0 = arith.constant 0 : i32
    %c0_i32_1 = arith.constant 0 : i32
    return %c0_i32, %c0_i32_0 : i32, i32
  }
  func.func @transform_9(%arg0: i32) -> (i32, i32) {
    %c0_i32 = arith.constant 0 : i32
    %c0_i32_0 = arith.constant 0 : i32
    %c0_i32_1 = arith.constant 0 : i32
    return %c0_i32, %c0_i32_0 : i32, i32
  }
  func.func @transform_10(%arg0: i32) -> (i32, i32) {
    %c0_i32 = arith.constant 0 : i32
    %c0_i32_0 = arith.constant 0 : i32
    %c0_i32_1 = arith.constant 0 : i32
    return %c0_i32, %c0_i32_0 : i32, i32
  }
  func.func @transform_11(%arg0: i32) -> (i32, i32) {
    %c0_i32 = arith.constant 0 : i32
    %c0_i32_0 = arith.constant 0 : i32
    return %arg0, %c0_i32 : i32, i32
  }
  func.func @transform_12(%arg0: i32) -> (i32, i32) {
    %c0_i32 = arith.constant 0 : i32
    %c0_i32_0 = arith.constant 0 : i32
    %c0_i32_1 = arith.constant 0 : i32
    return %c0_i32, %c0_i32_0 : i32, i32
  }
}

</mosaic_0001>

<sc_bundles>
// kernel: kernel.11.cloned.1.call-start
scs
__scs_entry_jumppad:
0x0: {  	(pc) =	sbr.rel $0x88, $3  }
0x1: {  	(tag) =	ssettag $0x0;
	lr =	simm.s32 $0x1  }
0x2: {  	[smem:$0x3F8A] =	sst lr;
	_ =	strace $0xD0000000  }
0x3: {  	_ = 	snop  }
0x4: {  	_ = 	snop  }
0x5: {  	_ = 	snop  }
0x6: {  	_ = 	snop  }
0x7: {  	_ = 	snop  }
__scs_overlays_trampoline_lowered:
0x8: {  	[smem:$0x3F99] =	sst s0  }
0x9: {  	[smem:$0x3F9A] =	sst s1  }
0xa: {  	[smem:$0x3F9B] =	sst s2  }
0xb: {  	[smem:$0x3F9C] =	sst s3  }
0xc: {  	[smem:$0x3F9D] =	sst s4  }
0xd: {  	[smem:$0x3F9E] =	sst s5  }
0xe: {  	[smem:$0x3F9F] =	sst s6  }
0xf: {  	[smem:$0x3FA0] =	sst s7  }
0x10: {  	[smem:$0x3FA1] =	sst s8  }
0x11: {  	[smem:$0x3FA2] =	sst s9;
	s0 =	simm.s32 @!p0 $0x0  }
0x12: {  	s1 =	sld [smem:$0x3F88];
	s0 =	simm.s32 @p0 $0x1  }
0x13: {  	[smem:$0x3FA3] =	sst s0;
	s0 =	simm.s32 @!p1 $0x0  }
0x14: {  	s2 =	sld [smem:$0x3F87];
	s0 =	simm.s32 @p1 $0x1  }
0x15: {  	[smem:$0x3FA4] =	sst s0;
	s0 =	simm.s32 @!p2 $0x0  }
0x16: {  	s3 =	sld [smem:$0x3FDB];
	s0 =	simm.s32 @p2 $0x1  }
0x17: {  	s4 =	simm.s32 $0x1BF5;
	[smem:$0x3FA6] =	sst s0  }
0x18: {  	s0 =	sld [smem:$0x3F89];
	_ =	swait.ge [sflag:s4], $0x0  }
0x19: {  	s7 =	sld [smem:$0x3F8A]  }
0x1a: {  	s8 =	sadd.s32 $0xFFFFE003, lr  }
0x1b: {  	s9 =	sadd.s32 $0xFFFFFEF7, lr;
	s5 =	simm.s32 $0xFFFFFFFF;
	p2 =	slt.u32 s8, $0xFFFFF086  }
0x1c: {  	p1 =	slt.u32 s9, $0xF7A;
	s5 =	simm.s32 @!p2 $0x0  }
0x1d: {  	s5 =	simm.s32 @p1 $0x1;
	p0 =	seq.s32 s7, s2  }
0x1e: {  	s7 =	smul.u32 @!p0 $0xF7A, s2;
	p2 =	seq.s32 @!p0 s5, $0x0  }
0x1f: {  	s9 =	smul.u32 $0xF7A, s1;
	s8 =	simm.s32 @!p0 $0x1BF5;
	p2 =	por !p2, p0  }
0x20: {  	[sflag:s8] =	ssyncset.s32 @!p0 $0xFFFFF086;
	s6 =	sadd.s32 @!p0 s3, s7;
	s7 =	simm.s32 @!p0 $0x108  }
0x21: {  	s3 =	sadd.s32 s3, s9;
	s6 =	sadd.s32 @!p0 $0x88, s6;
	s7 =	simm.s32 @p2 $0x1082  }
0x22: {  	[simem:s7], [sflag:s8] =	dma.local @!p0 [hbm:s6], $0xF7A  }
0x23: {  	s9 =	sor.u32 $0xD0000000, s2;
	s6 =	simm.s32 $0x108;
	_ =	swait.ge @!p0 [sflag:s8], $0x0  }
0x24: {  	s3 =	sadd.s32 $0x88, s3;
	s6 =	simm.s32 @!p1 $0x1082;
	[sflag:s4] =	ssyncset.s32 $0xFFFFF086  }
0x25: {  	[simem:s6], [sflag:s4] =	dma.local [hbm:s3], $0xF7A  }
0x26: {  	[smem:$0x3F8A] =	sst s1;
	(tag) =	ssettag s2;
	_ =	strace s9  }
0x27: {  	s1 =	sld [smem:$0x3F9A]  }
0x28: {  	s2 =	sld [smem:$0x3F9B]  }
0x29: {  	s4 =	sld [smem:$0x3F9D]  }
0x2a: {  	p0 =	seq.s32 s5, $0x0;
	s5 =	sld [smem:$0x3F9E]  }
0x2b: {  	s6 =	sld [smem:$0x3F9F]  }
0x2c: {  	s7 =	sld [smem:$0x3FA0]  }
0x2d: {  	s3 =	simm.s32 $0x108;
	s8 =	sld [smem:$0x3FA1]  }
0x2e: {  	s3 =	simm.s32 @!p0 $0x1082;
	s9 =	sld [smem:$0x3FA2]  }
0x2f: {  	lr =	sadd.s32 s0, s3;
	s0 =	sld [smem:$0x3F99]  }
0x30: {  	s3 =	sld [smem:$0x3F9C]  }
0x31: {  	[smem:$0x3FA5] =	sst s10  }
0x32: {  	s10 =	sld [smem:$0x3FA3];
	_ =	sdelay $0x3  }
0x33: {  	p0 =	seq.s32 s10, $0x1;
	s10 =	sld [smem:$0x3FA5];
	_ =	sdelay $0x3  }
0x34: {  	[smem:$0x3FA5] =	sst s10  }
0x35: {  	s10 =	sld [smem:$0x3FA4];
	_ =	sdelay $0x3  }
0x36: {  	p1 =	seq.s32 s10, $0x1;
	s10 =	sld [smem:$0x3FA5];
	_ =	sdelay $0x3  }
0x37: {  	[smem:$0x3FA5] =	sst s10  }
0x38: {  	s10 =	sld [smem:$0x3FA6]  }
0x39: {  	_ = 	snop;
	(pc) =	sbr.ind lr, $3  }
0x3a: {  	_ = 	snop  }
0x3b: {  	_ = 	snop  }
0x3c: {  	p2 =	seq.s32 s10, $0x1;
	s10 =	sld [smem:$0x3FA5]  }
0x3d: {  	_ =	shalt  }
0x3e: {  	_ =	shalt  }
0x3f: {  	_ =	shalt  }
0x40: {  	_ =	shalt  }
0x41: {  	_ =	shalt  }
0x42: {  	_ =	shalt  }
0x43: {  	_ =	shalt  }
0x44: {  	_ =	shalt  }
0x45: {  	_ =	shalt  }
0x46: {  	_ =	shalt  }
0x47: {  	_ =	shalt  }
0x48: {  	_ =	shalt  }
0x49: {  	_ =	shalt  }
0x4a: {  	_ =	shalt  }
0x4b: {  	_ =	shalt  }
0x4c: {  	_ =	shalt  }
0x4d: {  	_ =	shalt  }
0x4e: {  	_ =	shalt  }
0x4f: {  	_ =	shalt  }
0x50: {  	_ =	shalt  }
0x51: {  	_ =	shalt  }
0x52: {  	_ =	shalt  }
0x53: {  	_ =	shalt  }
0x54: {  	_ =	shalt  }
0x55: {  	_ =	shalt  }
0x56: {  	_ =	shalt  }
0x57: {  	_ =	shalt  }
0x58: {  	_ =	shalt  }
0x59: {  	_ =	shalt  }
0x5a: {  	_ =	shalt  }
0x5b: {  	_ =	shalt  }
0x5c: {  	_ =	shalt  }
0x5d: {  	_ =	shalt  }
0x5e: {  	_ =	shalt  }
0x5f: {  	_ =	shalt  }
0x60: {  	_ =	shalt  }
0x61: {  	_ =	shalt  }
0x62: {  	_ =	shalt  }
0x63: {  	_ =	shalt  }
0x64: {  	_ =	shalt  }
0x65: {  	_ =	shalt  }
0x66: {  	_ =	shalt  }
0x67: {  	_ =	shalt  }
0x68: {  	_ =	shalt  }
0x69: {  	_ =	shalt  }
0x6a: {  	_ =	shalt  }
0x6b: {  	_ =	shalt  }
0x6c: {  	_ =	shalt  }
0x6d: {  	_ =	shalt  }
0x6e: {  	_ =	shalt  }
0x6f: {  	_ =	shalt  }
0x70: {  	_ =	shalt  }
0x71: {  	_ =	shalt  }
0x72: {  	_ =	shalt  }
0x73: {  	_ =	shalt  }
0x74: {  	_ =	shalt  }
0x75: {  	_ =	shalt  }
0x76: {  	_ =	shalt  }
0x77: {  	_ =	shalt  }
0x78: {  	_ =	shalt  }
0x79: {  	_ =	shalt  }
0x7a: {  	_ =	shalt  }
0x7b: {  	_ =	shalt  }
0x7c: {  	_ =	shalt  }
0x7d: {  	_ =	shalt  }
0x7e: {  	_ =	shalt  }
0x7f: {  	_ =	shalt  }
0x80: {  	_ =	shalt  }
0x81: {  	_ =	shalt  }
0x82: {  	_ =	shalt  }
0x83: {  	_ =	shalt  }
0x84: {  	_ =	shalt  }
0x85: {  	_ =	shalt  }
0x86: {  	_ =	shalt  }
0x87: {  	_ =	shalt  }
.Lfunc_end0:
.L_simem_size_0:
called_computation.1_lowered:
.L_overlay_start_0:
0x88: {  	s2 =	sld [smem:$0x3FD9]  }
0x89: {  	s3 =	sld [smem:$0x3FFE];
	_ =	sdelay $0x1  }
0x8a: {  	s1 =	srdreg.scid  }
0x8b: {  	s0 =	sand.u32 $0x1, s1  }
0x8c: {  	s14 =	sshll.u32 s0, $0xA;
	s2 =	sadd.s32 s3, s2  }
0x8d: {  	s2 =	sadd.s32 s2, s14  }
0x8e: {  	[smem:$0x3FB1] =	sst s2  }
0x8f: {  	_ = 	snop  }
0x90: {  	s2 =	sld [smem:$0x3FD0];
	_ =	sdelay $0x2  }
0x91: {  	s15 =	simm.s32 $0xA;
	s4 =	simm.s32 $0x10  }
0x92: {  	[smem:s4], [sflag:s15] =	dma.local [hbm:s2], $0x1  }
0x93: {  	_ =	swait.eq [sflag:s15], $0x1  }
0x94: {  	[sflag:s15] =	ssyncset.done $0x0  }
0x95: {  	[sflag:s15] =	ssyncadd.s32 $0xFFFFFFFF  }
0x96: {  	s16 =	sld [smem:$0x10];
	(tm) =	ssettm $0x1  }
0x97: {  	s17 =	sld [smem:$0x3FFB];
	_ =	sdelay $0x3  }
0x98: {  	_ =	strace s17  }
0x99: {  	s3 =	sld [smem:$0x3FFC];
	_ =	sdelay $0x3  }
0x9a: {  	_ =	strace s3  }
0x9b: {  	s3 =	sld [smem:$0x3FFD];
	_ =	sdelay $0x3  }
0x9c: {  	_ =	strace s3  }
0x9d: {  	_ =	strace $0x8FFFFFFF  }
0x9e: {  	s18 =	sld [smem:$0x3FDB];
	_ =	sdelay $0x1  }
0x9f: {  	s19 =	simm.s32 $_scs_section_size  }
0xa0: {  	s5 =	simm.s32 $_size__tile_overlayer_lowered;
	s6 =	simm.s32 $_tile_overlayer_lowered  }
0xa1: {  	s22 =	simm.s32 $0x1BFF;
	s21 =	sshll.u32 s6, $0x1;
	s3 =	sadd.s32 s19, s18  }
0xa2: {  	s7 =	simm.s32 $0x0;
	s20 =	sshll.u32 s5, $0x1;
	s5 =	sadd.s32 s21, s3  }
0xa3: {  	[timem:s7], [sflag:s22] =	dma.local [hbm:s5], s20  }
0xa4: {  	_ =	swait.ge [sflag:s22], s20  }
0xa5: {  	s4 =	ssub.s32 $0x0, s20;
	[sflag:s22] =	ssyncset.done $0x0  }
0xa6: {  	[sflag:s22] =	ssyncadd.s32 s4;
	_ =	sdelay $0x1  }
0xa7: {  	s23 =	simm.s32 $0x1B8B  }
0xa8: {  	_ =	swait.ge [sflag:s23], $0x1  }
0xa9: {  	[sflag:s23] =	ssyncset.done $0x0  }
0xaa: {  	s25 =	simm.s32 $0x1B8E;
	s24 =	sld [smem:$0x3FFE];
	[sflag:s23] =	ssyncadd.s32 $0xFFFFFFFF  }
0xab: {  	s26 =	simm.s32 $execute0_lowered;
	[smem:$0x3FD2] =	sst s25  }
0xac: {  	s5 =	sshll.u32 s26, $0x1;
	_ =	strace $0x80000049;
	[dreg:$0x1] =	wrdreg $0xFFFFFFFF  }
0xad: {  	s28 =	simm.s32 $_size_execute0_lowered;
	s3 =	sadd.s32 s3, s5;
	[dreg:$0x0] =	wrdreg $0x0  }
0xae: {  	s5 =	sshll.u32 s28, $0x1;
	[dreg:$0x2] =	wrdreg s3  }
0xaf: {  	[dreg:$0x3] =	wrdreg s5  }
0xb0: {  	[dreg:$0x4] =	wrdreg $0xC0  }
0xb1: {  	_ =	task [dreg:s7], $0x5FFFF  }
0xb2: {  	[dreg:$0x1] =	wrdreg $0xFFFFFFFF  }
0xb3: {  	[dreg:$0x0] =	wrdreg $0x60  }
0xb4: {  	[dreg:$0x2] =	wrdreg s16  }
0xb5: {  	[dreg:$0x3] =	wrdreg s24  }
0xb6: {  	[dreg:$0x4] =	wrdreg $0x90000  }
0xb7: {  	[dreg:$0x5] =	wrdreg $0x9  }
0xb8: {  	_ =	task.clear_ibuf [dreg:s7], $0x6FFFF;
	_ =	strace $0x90000049  }
0xb9: {  	s29 =	simm.s32 $0x9;
	_ =	strace $0x8000004B  }
0xba: {  	_ =	swait.ge [sflag:s29], $0x1  }
0xbb: {  	[sflag:s29] =	ssyncadd.s32 $0xFFFFFFFF  }
0xbc: {  	_ =	strace $0x9000004B  }
0xbd: {  	_ =	sfence  }
0xbe: {  	s30 =	sld [smem:$0x0];
	_ =	sdelay $0x2  }
0xbf: {  	s31 =	sshll.u32 s1, $0xD;
	s1 =	sshrl.u32 s1, $0x2  }
0xc0: {  	s3 =	sand.u32 $0x4000, s31;
	s1 =	sadd.s32 s1, s30  }
0xc1: {  	s0 =	sor.u32 s3, s0;
	s1 =	sshll.u32 s1, $0x11  }
0xc2: {  	s0 =	sor.u32 s1, s0  }
0xc3: {  	s0 =	sadd.s32 $0x8F2B, s0  }
0xc4: {  	[sflag:s0] =	ssyncadd.remote.s32 $0x1  }
0xc5: {  	_ =	sfence.sel $0xFFFF  }
0xc6: {  	[dreg:$0x0] =	wrdreg $0xFFFFFFFF;
	(pc) =	sbr.abs _section_cstart, $3  }
0xc7: {  	[dreg:$0x1] =	wrdreg $0xFFFFFFFF  }
0xc8: {  	_ =	task.clear_ibuf [dreg:s7], $0x2FFFF;
	_ =	strace $0x9FFFFFFF  }
0xc9: {  	(tm) =	ssettm $0x7FFFFFFF  }
tec
execute0_lowered:
.L_overlay_start_1:
0x0: {  	(tag) =	ssettag $0x1  }
0x1: {  	s1 =	rddreg [dreg:$0x0]  }
0x2: {  	s0 =	srdreg.scid;
	s6 =	rddreg [dreg:$0x1]  }
0x3: {  	s3 =	rddreg [dreg:$0x2];
	s4 =	simm.s32 $0x0;
	s14 =	simm.s32 $0x2800  }
0x4: {  	s15 =	simm.s32 $0x80;
	s16 =	simm.s32 $0x5000;
	s17 =	simm.s32 $0x1  }
0x5: {  	s20 =	simm.s32 $0x0;
	s5 =	sand.u32 $0x1, s0;
	s0 =	stileid.u32  }
0x6: {  	[smem:$0x7FF] =	sst s4;
	s12 =	sadd.s32 $0x3FC00, s6;
	s8 =	smul.u32 $0x13C00, s0  }
0x7: {  	s18 =	sadd.s32 $0x128400, s3;
	s2 =	sshll.u32 s5, $0x4;
	s11 =	smul.u32 $0x4F000, s0  }
0x8: {  	s10 =	ssub.s32 $0x2, s5;
	s29 =	smul.u32 $0x138800, s5;
	s30 =	sshll.u32 s0, $0x6  }
0x9: {  	p0 =	seq.s32 s0, $0xF;
	s7 =	sor.u32 s0, s2;
	s2 =	rddreg [dreg:$0x3]  }
0xa: {  	_ =	strace $0x8000004A;
	s26 =	sshrl.u32 s10, $0x1;
	s18 =	sshrl.u32 @p0 s18, $0x3  }
0xb: {  	s7 =	smul.u32 $0x500, s7;
	s25 =	sshrl.u32 s8, $0x3;
	s13 =	ssub.s32 s10, s26  }
0xc: {  	s28 =	sshrl.u32 s11, $0x2;
	s8 =	sadd.s32 s8, s29;
	s10 =	sshrl.u32 s29, $0x3  }
0xd: {  	s19 =	sadd.s32 s28, s3;
	s31 =	sshrl.u32 s8, $0x3;
	s10 =	sadd.s32 s12, s10  }
0xe: {  	s11 =	smax.u32 s13, $0x1;
	s13 =	simm.s32 $0x2;
	s9 =	sadd.s32 s7, s6  }
0xf: {  	s7 =	sadd.s32 s25, s6;
	s6 =	sor.u32 $0x1C02, s30;
	s10 =	sadd.s32 $0x25080, s10  }
0x10: {  	s5 =	sadd.s32 $0x18400, s7;
	s7 =	sadd.s32 $0xE400, s9;
	s8 =	sadd.s32 $0x4400, s9  }
0x11: {  	s9 =	sadd.s32 s12, s31;
	s12 =	sshrl.u32 s19, $0x3;
	s19 =	sshrl.u32 @!p0 s19, $0x3  }
.LBB2_1:
0x12: {  	[spmem:s12], [sflag:s6] =	dma.local [hbm:s5], $0x2780  }
0x13: {  	_ =	swait.ge [sflag:s13], $0x2780  }
0x14: {  	[sflag:s13] =	ssyncset.done $0x0  }
0x15: {  	[sflag:s13] =	ssyncadd.s32 $0xFFFFD880  }
0x16: {  	[tilespmem:s4], [sflag:$0x2] =	stream.linear.gather [hbm4b:s7+s4], $0x2780, $0x38;
	[tilespmem:$0x1CC00] =	vst v63  }
0x17: {  	_ =	swait.ge [sflag:s13], $0x2780  }
0x18: {  	[sflag:s13] =	ssyncset.done $0x0  }
0x19: {  	[sflag:s13] =	ssyncadd.s32 $0xFFFFD880  }
0x1a: {  	[tilespmem:s14], [sflag:$0x2] =	stream.linear.gather [hbm4b:s8+s4], $0x2780, $0x38;
	[tilespmem:$0x1CC00] =	vst v63  }
0x1b: {  	_ =	swait.ge [sflag:s13], $0x2780  }
0x1c: {  	[sflag:s13] =	ssyncset.done $0x0  }
0x1d: {  	[sflag:s13] =	ssyncadd.s32 $0xFFFFD880  }
0x1e: {  	s21 =	simm.s32 $0x0;
	[bflag:$0x0] =	sbarrier.arrive $0xFFFF  }
0x1f: {  	[tilespmem:s16], [sflag:$0x1] =	stream.indirect.gather [hbm4b:s1+s15], $0x80, s21, s15, $0xb8;
	[tilespmem:$0x1CC00] =	vst v63  }
0x20: {  	_ =	swait.ge [sflag:s17], $0x4000  }
0x21: {  	[sflag:s17] =	ssyncset.done $0x0  }
0x22: {  	s31 =	simm.s32 $0x2800;
	[sflag:s17] =	ssyncadd.s32 $0xFFFFC000  }
0x23: {  	[spmem:s3] =	stream.indirect.scatter.add.f32 [tilespmem:s16], [sflag:$0x2], $0x80, s31, s15, $0xb8;
	[tilespmem:$0x1CC00] =	vst v63  }
0x24: {  	_ =	swait.ge [sflag:s13], $0x4000  }
0x25: {  	s22 =	simm.s32 $0x400;
	s21 =	simm.s32 $0x200;
	[sflag:s13] =	ssyncset.done $0x0  }
.LBB2_2:
0x26: {  	s23 =	sshra.s32 s21, $0x2  }
0x27: {  	[sflag:s13] =	ssyncadd.s32 $0xFFFFC000;
	s21 =	smov.u32 s22;
	s24 =	sadd.s32 $0x200, s22  }
0x28: {  	[tilespmem:s16], [sflag:$0x1] =	stream.indirect.gather [hbm4b:s1+s15], $0x80, s23, s15, $0xb8;
	[tilespmem:$0x1CC00] =	vst v63  }
0x29: {  	p1 =	sne.s32 s22, $0x9C00;
	_ =	swait.ge [sflag:s17], $0x4000  }
.Ltmp0:
0x2a: {  	[sflag:s17] =	ssyncset.done $0x0;
	(pc) =	sbr.rel @p1 .LBB2_2-.Ltmp0, $4  }
0x2b: {  	s22 =	sadd.s32 $0x2800, s23;
	[sflag:s17] =	ssyncadd.s32 $0xFFFFC000  }
0x2c: {  	[spmem:s3] =	stream.indirect.scatter.add.f32 [tilespmem:s16], [sflag:$0x2], $0x80, s22, s15, $0xb8;
	[tilespmem:$0x1CC00] =	vst v63  }
0x2d: {  	_ =	swait.ge [sflag:s13], $0x4000  }
0x2e: {  	s22 =	smov.u32 s24;
	[sflag:s13] =	ssyncset.done $0x0  }
0x2f: {  	s21 =	sshra.s32 s21, $0x2;
	[sflag:s13] =	ssyncadd.s32 $0xFFFFC000  }
0x30: {  	[tilespmem:s16], [sflag:$0x1] =	stream.indirect.gather [hbm4b:s1+s15], $0x80, s21, s15, $0xb8;
	[tilespmem:$0x1CC00] =	vst v63  }
0x31: {  	_ =	swait.ge [sflag:s17], $0x4000  }
0x32: {  	[sflag:s17] =	ssyncset.done $0x0  }
0x33: {  	s21 =	sadd.s32 $0x2800, s21;
	[sflag:s17] =	ssyncadd.s32 $0xFFFFC000  }
0x34: {  	[spmem:s3] =	stream.indirect.scatter.add.f32 [tilespmem:s16], [sflag:$0x2], $0x80, s21, s15, $0xb8;
	[tilespmem:$0x1CC00] =	vst v63  }
0x35: {  	_ =	swait.ge [sflag:s13], $0x4000  }
0x36: {  	[sflag:s13] =	ssyncset.done $0x0  }
0x37: {  	[sflag:s13] =	ssyncadd.s32 $0xFFFFC000  }
0x38: {  	s21 =	simm.s32 @p0 $0x2;
	[bflag:$0x0] =	sbarrier.arrive $0xFFFF  }
0x39: {  	[hbm:s10], [sflag:s6] =	dma.local @p0 [spmem:s18], $0x2080  }
0x3a: {  	s20 =	sadd.s32 $0x1, s20;
	_ =	swait.ge @p0 [sflag:s21], $0x2080  }
0x3b: {  	p1 =	sne.s32 s20, s11;
	[sflag:s21] =	ssyncset.done @p0 $0x0  }
.Ltmp1:
0x3c: {  	[sflag:s21] =	ssyncadd.s32 @p0 $0xFFFFDF80;
	s21 =	simm.s32 @!p0 $0x2;
	(pc) =	sbr.rel @p1 .LBB2_1-.Ltmp1, $4  }
0x3d: {  	[hbm:s9], [sflag:s6] =	dma.local @!p0 [spmem:s19], $0x2780  }
0x3e: {  	_ =	swait.ge @!p0 [sflag:s21], $0x2780  }
0x3f: {  	[sflag:s21] =	ssyncset.done @!p0 $0x0  }
0x40: {  	[sflag:s21] =	ssyncadd.s32 @!p0 $0xFFFFD880  }
0x41: {  	_ =	sfence.sel $0x180000  }
0x42: {  	[bflag:$0x0] =	sbarrier.arrive $0xFFFF  }
0x43: {  	p0 =	sne.s32 s0, $0x0;
	_ =	strace $0x9000004A  }
0x44: {  	s0 =	sadd.s32 @!p0 $0x100000, s2;
	[bflag:$0x2] =	sbarrier.arrive $0xFFFF  }
0x45: {  	[sflag:s0] =	ssyncadd.tile.s32 @!p0 $0x1;
	_ =	shalt  }
.Lfunc_end2:
_tile_overlayer_lowered:
.L_overlay_start_2:
0x46: {  	(tag) =	ssettag $0x2  }
0x47: {  	s0 =	rddreg [dreg:$0x0];
	s2 =	stileid.u32  }
0x48: {  	s1 =	rddreg [dreg:$0x1];
	p0 =	sne.s32 s2, $0x0  }
0x49: {  	s3 =	rddreg [dreg:$0x2];
	[bflag:$0x3] =	sbarrier.arrive $0xFFFF;
	s2 =	simm.s32 @!p0 $0x1C02  }
0x4a: {  	[timem:s3], [sflag:s2] =	dma.local @!p0 [hbm:s0], s1  }
0x4b: {  	s0 =	simm.s32 @!p0 $0x2  }
0x4c: {  	_ =	swait.ge @!p0 [sflag:s0], s1  }
0x4d: {  	s1 =	ssub.s32 @!p0 $0x0, s1;
	[sflag:s0] =	ssyncset.done @!p0 $0x0  }
0x4e: {  	[sflag:s0] =	ssyncadd.s32 @!p0 s1  }
0x4f: {  	[bflag:$0x3] =	sbarrier.arrive $0xFFFF  }
0x50: {  	_ =	shalt  }

// kernel: kernel.14.cloned.1.call-start
scs
__scs_entry_jumppad:
0x0: {  	(pc) =	sbr.rel $0x88, $3  }
0x1: {  	(tag) =	ssettag $0x0;
	lr =	simm.s32 $0x1  }
0x2: {  	[smem:$0x3F8A] =	sst lr;
	_ =	strace $0xD0000000  }
0x3: {  	_ = 	snop  }
0x4: {  	_ = 	snop  }
0x5: {  	_ = 	snop  }
0x6: {  	_ = 	snop  }
0x7: {  	_ = 	snop  }
__scs_overlays_trampoline_lowered:
0x8: {  	[smem:$0x3F99] =	sst s0  }
0x9: {  	[smem:$0x3F9A] =	sst s1  }
0xa: {  	[smem:$0x3F9B] =	sst s2  }
0xb: {  	[smem:$0x3F9C] =	sst s3  }
0xc: {  	[smem:$0x3F9D] =	sst s4  }
0xd: {  	[smem:$0x3F9E] =	sst s5  }
0xe: {  	[smem:$0x3F9F] =	sst s6  }
0xf: {  	[smem:$0x3FA0] =	sst s7  }
0x10: {  	[smem:$0x3FA1] =	sst s8  }
0x11: {  	[smem:$0x3FA2] =	sst s9;
	s0 =	simm.s32 @!p0 $0x0  }
0x12: {  	s1 =	sld [smem:$0x3F88];
	s0 =	simm.s32 @p0 $0x1  }
0x13: {  	[smem:$0x3FA3] =	sst s0;
	s0 =	simm.s32 @!p1 $0x0  }
0x14: {  	s2 =	sld [smem:$0x3F87];
	s0 =	simm.s32 @p1 $0x1  }
0x15: {  	[smem:$0x3FA4] =	sst s0;
	s0 =	simm.s32 @!p2 $0x0  }
0x16: {  	s3 =	sld [smem:$0x3FDB];
	s0 =	simm.s32 @p2 $0x1  }
0x17: {  	s4 =	simm.s32 $0x1BF5;
	[smem:$0x3FA6] =	sst s0  }
0x18: {  	s0 =	sld [smem:$0x3F89];
	_ =	swait.ge [sflag:s4], $0x0  }
0x19: {  	s7 =	sld [smem:$0x3F8A]  }
0x1a: {  	s8 =	sadd.s32 $0xFFFFE003, lr  }
0x1b: {  	s9 =	sadd.s32 $0xFFFFFEF7, lr;
	s5 =	simm.s32 $0xFFFFFFFF;
	p2 =	slt.u32 s8, $0xFFFFF086  }
0x1c: {  	p1 =	slt.u32 s9, $0xF7A;
	s5 =	simm.s32 @!p2 $0x0  }
0x1d: {  	s5 =	simm.s32 @p1 $0x1;
	p0 =	seq.s32 s7, s2  }
0x1e: {  	s7 =	smul.u32 @!p0 $0xF7A, s2;
	p2 =	seq.s32 @!p0 s5, $0x0  }
0x1f: {  	s9 =	smul.u32 $0xF7A, s1;
	s8 =	simm.s32 @!p0 $0x1BF5;
	p2 =	por !p2, p0  }
0x20: {  	[sflag:s8] =	ssyncset.s32 @!p0 $0xFFFFF086;
	s6 =	sadd.s32 @!p0 s3, s7;
	s7 =	simm.s32 @!p0 $0x108  }
0x21: {  	s3 =	sadd.s32 s3, s9;
	s6 =	sadd.s32 @!p0 $0x88, s6;
	s7 =	simm.s32 @p2 $0x1082  }
0x22: {  	[simem:s7], [sflag:s8] =	dma.local @!p0 [hbm:s6], $0xF7A  }
0x23: {  	s9 =	sor.u32 $0xD0000000, s2;
	s6 =	simm.s32 $0x108;
	_ =	swait.ge @!p0 [sflag:s8], $0x0  }
0x24: {  	s3 =	sadd.s32 $0x88, s3;
	s6 =	simm.s32 @!p1 $0x1082;
	[sflag:s4] =	ssyncset.s32 $0xFFFFF086  }
0x25: {  	[simem:s6], [sflag:s4] =	dma.local [hbm:s3], $0xF7A  }
0x26: {  	[smem:$0x3F8A] =	sst s1;
	(tag) =	ssettag s2;
	_ =	strace s9  }
0x27: {  	s1 =	sld [smem:$0x3F9A]  }
0x28: {  	s2 =	sld [smem:$0x3F9B]  }
0x29: {  	s4 =	sld [smem:$0x3F9D]  }
0x2a: {  	p0 =	seq.s32 s5, $0x0;
	s5 =	sld [smem:$0x3F9E]  }
0x2b: {  	s6 =	sld [smem:$0x3F9F]  }
0x2c: {  	s7 =	sld [smem:$0x3FA0]  }
0x2d: {  	s3 =	simm.s32 $0x108;
	s8 =	sld [smem:$0x3FA1]  }
0x2e: {  	s3 =	simm.s32 @!p0 $0x1082;
	s9 =	sld [smem:$0x3FA2]  }
0x2f: {  	lr =	sadd.s32 s0, s3;
	s0 =	sld [smem:$0x3F99]  }
0x30: {  	s3 =	sld [smem:$0x3F9C]  }
0x31: {  	[smem:$0x3FA5] =	sst s10  }
0x32: {  	s10 =	sld [smem:$0x3FA3];
	_ =	sdelay $0x3  }
0x33: {  	p0 =	seq.s32 s10, $0x1;
	s10 =	sld [smem:$0x3FA5];
	_ =	sdelay $0x3  }
0x34: {  	[smem:$0x3FA5] =	sst s10  }
0x35: {  	s10 =	sld [smem:$0x3FA4];
	_ =	sdelay $0x3  }
0x36: {  	p1 =	seq.s32 s10, $0x1;
	s10 =	sld [smem:$0x3FA5];
	_ =	sdelay $0x3  }
0x37: {  	[smem:$0x3FA5] =	sst s10  }
0x38: {  	s10 =	sld [smem:$0x3FA6]  }
0x39: {  	_ = 	snop;
	(pc) =	sbr.ind lr, $3  }
0x3a: {  	_ = 	snop  }
0x3b: {  	_ = 	snop  }
0x3c: {  	p2 =	seq.s32 s10, $0x1;
	s10 =	sld [smem:$0x3FA5]  }
0x3d: {  	_ =	shalt  }
0x3e: {  	_ =	shalt  }
0x3f: {  	_ =	shalt  }
0x40: {  	_ =	shalt  }
0x41: {  	_ =	shalt  }
0x42: {  	_ =	shalt  }
0x43: {  	_ =	shalt  }
0x44: {  	_ =	shalt  }
0x45: {  	_ =	shalt  }
0x46: {  	_ =	shalt  }
0x47: {  	_ =	shalt  }
0x48: {  	_ =	shalt  }
0x49: {  	_ =	shalt  }
0x4a: {  	_ =	shalt  }
0x4b: {  	_ =	shalt  }
0x4c: {  	_ =	shalt  }
0x4d: {  	_ =	shalt  }
0x4e: {  	_ =	shalt  }
0x4f: {  	_ =	shalt  }
0x50: {  	_ =	shalt  }
0x51: {  	_ =	shalt  }
0x52: {  	_ =	shalt  }
0x53: {  	_ =	shalt  }
0x54: {  	_ =	shalt  }
0x55: {  	_ =	shalt  }
0x56: {  	_ =	shalt  }
0x57: {  	_ =	shalt  }
0x58: {  	_ =	shalt  }
0x59: {  	_ =	shalt  }
0x5a: {  	_ =	shalt  }
0x5b: {  	_ =	shalt  }
0x5c: {  	_ =	shalt  }
0x5d: {  	_ =	shalt  }
0x5e: {  	_ =	shalt  }
0x5f: {  	_ =	shalt  }
0x60: {  	_ =	shalt  }
0x61: {  	_ =	shalt  }
0x62: {  	_ =	shalt  }
0x63: {  	_ =	shalt  }
0x64: {  	_ =	shalt  }
0x65: {  	_ =	shalt  }
0x66: {  	_ =	shalt  }
0x67: {  	_ =	shalt  }
0x68: {  	_ =	shalt  }
0x69: {  	_ =	shalt  }
0x6a: {  	_ =	shalt  }
0x6b: {  	_ =	shalt  }
0x6c: {  	_ =	shalt  }
0x6d: {  	_ =	shalt  }
0x6e: {  	_ =	shalt  }
0x6f: {  	_ =	shalt  }
0x70: {  	_ =	shalt  }
0x71: {  	_ =	shalt  }
0x72: {  	_ =	shalt  }
0x73: {  	_ =	shalt  }
0x74: {  	_ =	shalt  }
0x75: {  	_ =	shalt  }
0x76: {  	_ =	shalt  }
0x77: {  	_ =	shalt  }
0x78: {  	_ =	shalt  }
0x79: {  	_ =	shalt  }
0x7a: {  	_ =	shalt  }
0x7b: {  	_ =	shalt  }
0x7c: {  	_ =	shalt  }
0x7d: {  	_ =	shalt  }
0x7e: {  	_ =	shalt  }
0x7f: {  	_ =	shalt  }
0x80: {  	_ =	shalt  }
0x81: {  	_ =	shalt  }
0x82: {  	_ =	shalt  }
0x83: {  	_ =	shalt  }
0x84: {  	_ =	shalt  }
0x85: {  	_ =	shalt  }
0x86: {  	_ =	shalt  }
0x87: {  	_ =	shalt  }
.Lfunc_end0:
.L_simem_size_0:
called_computation.2_lowered:
.L_overlay_start_0:
0x88: {  	s2 =	sld [smem:$0x3FD9]  }
0x89: {  	s3 =	sld [smem:$0x3FFE];
	_ =	sdelay $0x1  }
0x8a: {  	s1 =	srdreg.scid  }
0x8b: {  	s0 =	sand.u32 $0x1, s1  }
0x8c: {  	s14 =	sshll.u32 s0, $0xA;
	s2 =	sadd.s32 s3, s2  }
0x8d: {  	s2 =	sadd.s32 s2, s14  }
0x8e: {  	[smem:$0x3FB1] =	sst s2  }
0x8f: {  	_ = 	snop  }
0x90: {  	s2 =	sld [smem:$0x3FD0];
	_ =	sdelay $0x2  }
0x91: {  	s15 =	simm.s32 $0xA;
	s4 =	simm.s32 $0x10  }
0x92: {  	[smem:s4], [sflag:s15] =	dma.local [hbm:s2], $0x1  }
0x93: {  	_ =	swait.eq [sflag:s15], $0x1  }
0x94: {  	[sflag:s15] =	ssyncset.done $0x0  }
0x95: {  	[sflag:s15] =	ssyncadd.s32 $0xFFFFFFFF  }
0x96: {  	s16 =	sld [smem:$0x10];
	(tm) =	ssettm $0x1  }
0x97: {  	s17 =	sld [smem:$0x3FFB];
	_ =	sdelay $0x3  }
0x98: {  	_ =	strace s17  }
0x99: {  	s3 =	sld [smem:$0x3FFC];
	_ =	sdelay $0x3  }
0x9a: {  	_ =	strace s3  }
0x9b: {  	s3 =	sld [smem:$0x3FFD];
	_ =	sdelay $0x3  }
0x9c: {  	_ =	strace s3  }
0x9d: {  	_ =	strace $0x8FFFFFFF  }
0x9e: {  	s18 =	sld [smem:$0x3FDB];
	_ =	sdelay $0x1  }
0x9f: {  	s19 =	simm.s32 $_scs_section_size  }
0xa0: {  	s5 =	simm.s32 $_size__tile_overlayer_lowered;
	s6 =	simm.s32 $_tile_overlayer_lowered  }
0xa1: {  	s22 =	simm.s32 $0x1BFF;
	s21 =	sshll.u32 s6, $0x1;
	s3 =	sadd.s32 s19, s18  }
0xa2: {  	s7 =	simm.s32 $0x0;
	s20 =	sshll.u32 s5, $0x1;
	s5 =	sadd.s32 s21, s3  }
0xa3: {  	[timem:s7], [sflag:s22] =	dma.local [hbm:s5], s20  }
0xa4: {  	_ =	swait.ge [sflag:s22], s20  }
0xa5: {  	s4 =	ssub.s32 $0x0, s20;
	[sflag:s22] =	ssyncset.done $0x0  }
0xa6: {  	[sflag:s22] =	ssyncadd.s32 s4;
	_ =	sdelay $0x1  }
0xa7: {  	s23 =	simm.s32 $0x1B8B  }
0xa8: {  	_ =	swait.ge [sflag:s23], $0x1  }
0xa9: {  	[sflag:s23] =	ssyncset.done $0x0  }
0xaa: {  	s25 =	simm.s32 $0x1B8E;
	s24 =	sld [smem:$0x3FFE];
	[sflag:s23] =	ssyncadd.s32 $0xFFFFFFFF  }
0xab: {  	s26 =	simm.s32 $execute0_lowered;
	[smem:$0x3FD2] =	sst s25  }
0xac: {  	s5 =	sshll.u32 s26, $0x1;
	_ =	strace $0x8000004C;
	[dreg:$0x1] =	wrdreg $0xFFFFFFFF  }
0xad: {  	s28 =	simm.s32 $_size_execute0_lowered;
	s3 =	sadd.s32 s3, s5;
	[dreg:$0x0] =	wrdreg $0x0  }
0xae: {  	s5 =	sshll.u32 s28, $0x1;
	[dreg:$0x2] =	wrdreg s3  }
0xaf: {  	[dreg:$0x3] =	wrdreg s5  }
0xb0: {  	[dreg:$0x4] =	wrdreg $0xC0  }
0xb1: {  	_ =	task [dreg:s7], $0x5FFFF  }
0xb2: {  	[dreg:$0x1] =	wrdreg $0xFFFFFFFF  }
0xb3: {  	[dreg:$0x0] =	wrdreg $0x60  }
0xb4: {  	[dreg:$0x2] =	wrdreg s16  }
0xb5: {  	[dreg:$0x3] =	wrdreg s24  }
0xb6: {  	[dreg:$0x4] =	wrdreg $0x90000  }
0xb7: {  	[dreg:$0x5] =	wrdreg $0x9  }
0xb8: {  	_ =	task.clear_ibuf [dreg:s7], $0x6FFFF;
	_ =	strace $0x9000004C  }
0xb9: {  	s29 =	simm.s32 $0x9;
	_ =	strace $0x8000004E  }
0xba: {  	_ =	swait.ge [sflag:s29], $0x1  }
0xbb: {  	[sflag:s29] =	ssyncadd.s32 $0xFFFFFFFF  }
0xbc: {  	_ =	strace $0x9000004E  }
0xbd: {  	_ =	sfence  }
0xbe: {  	s30 =	sld [smem:$0x0];
	_ =	sdelay $0x2  }
0xbf: {  	s31 =	sshll.u32 s1, $0xD;
	s1 =	sshrl.u32 s1, $0x2  }
0xc0: {  	s3 =	sand.u32 $0x4000, s31;
	s1 =	sadd.s32 s1, s30  }
0xc1: {  	s0 =	sor.u32 s3, s0;
	s1 =	sshll.u32 s1, $0x11  }
0xc2: {  	s0 =	sor.u32 s1, s0  }
0xc3: {  	s0 =	sadd.s32 $0x8F2B, s0  }
0xc4: {  	[sflag:s0] =	ssyncadd.remote.s32 $0x1  }
0xc5: {  	_ =	sfence.sel $0xFFFF  }
0xc6: {  	[dreg:$0x0] =	wrdreg $0xFFFFFFFF;
	(pc) =	sbr.abs _section_cstart, $3  }
0xc7: {  	[dreg:$0x1] =	wrdreg $0xFFFFFFFF  }
0xc8: {  	_ =	task.clear_ibuf [dreg:s7], $0x2FFFF;
	_ =	strace $0x9FFFFFFF  }
0xc9: {  	(tm) =	ssettm $0x7FFFFFFF  }
tec
execute0_lowered:
.L_overlay_start_1:
0x0: {  	(tag) =	ssettag $0x1  }
0x1: {  	s1 =	rddreg [dreg:$0x0]  }
0x2: {  	s0 =	srdreg.scid;
	s6 =	rddreg [dreg:$0x1]  }
0x3: {  	s3 =	rddreg [dreg:$0x2];
	s4 =	simm.s32 $0x0;
	s14 =	simm.s32 $0x2800  }
0x4: {  	s15 =	simm.s32 $0x80;
	s16 =	simm.s32 $0x5000;
	s17 =	simm.s32 $0x1  }
0x5: {  	s20 =	simm.s32 $0x0;
	s5 =	sand.u32 $0x1, s0;
	s0 =	stileid.u32  }
0x6: {  	[smem:$0x7FF] =	sst s4;
	s12 =	sadd.s32 $0x3FC00, s6;
	s8 =	smul.u32 $0x13C00, s0  }
0x7: {  	s18 =	sadd.s32 $0x128400, s3;
	s2 =	sshll.u32 s5, $0x4;
	s11 =	smul.u32 $0x4F000, s0  }
0x8: {  	s10 =	ssub.s32 $0x2, s5;
	s29 =	smul.u32 $0x138800, s5;
	s30 =	sshll.u32 s0, $0x6  }
0x9: {  	p0 =	seq.s32 s0, $0xF;
	s7 =	sor.u32 s0, s2;
	s2 =	rddreg [dreg:$0x3]  }
0xa: {  	_ =	strace $0x8000004D;
	s26 =	sshrl.u32 s10, $0x1;
	s18 =	sshrl.u32 @p0 s18, $0x3  }
0xb: {  	s7 =	smul.u32 $0x500, s7;
	s25 =	sshrl.u32 s8, $0x3;
	s13 =	ssub.s32 s10, s26  }
0xc: {  	s28 =	sshrl.u32 s11, $0x2;
	s8 =	sadd.s32 s8, s29;
	s10 =	sshrl.u32 s29, $0x3  }
0xd: {  	s19 =	sadd.s32 s28, s3;
	s31 =	sshrl.u32 s8, $0x3;
	s10 =	sadd.s32 s12, s10  }
0xe: {  	s11 =	smax.u32 s13, $0x1;
	s13 =	simm.s32 $0x2;
	s9 =	sadd.s32 s7, s6  }
0xf: {  	s7 =	sadd.s32 s25, s6;
	s6 =	sor.u32 $0x1C02, s30;
	s10 =	sadd.s32 $0x25080, s10  }
0x10: {  	s5 =	sadd.s32 $0x18400, s7;
	s7 =	sadd.s32 $0xE400, s9;
	s8 =	sadd.s32 $0x4400, s9  }
0x11: {  	s9 =	sadd.s32 s12, s31;
	s12 =	sshrl.u32 s19, $0x3;
	s19 =	sshrl.u32 @!p0 s19, $0x3  }
.LBB2_1:
0x12: {  	[spmem:s12], [sflag:s6] =	dma.local [hbm:s5], $0x2780  }
0x13: {  	_ =	swait.ge [sflag:s13], $0x2780  }
0x14: {  	[sflag:s13] =	ssyncset.done $0x0  }
0x15: {  	[sflag:s13] =	ssyncadd.s32 $0xFFFFD880  }
0x16: {  	[tilespmem:s4], [sflag:$0x2] =	stream.linear.gather [hbm4b:s7+s4], $0x2780, $0x38;
	[tilespmem:$0x1CC00] =	vst v63  }
0x17: {  	_ =	swait.ge [sflag:s13], $0x2780  }
0x18: {  	[sflag:s13] =	ssyncset.done $0x0  }
0x19: {  	[sflag:s13] =	ssyncadd.s32 $0xFFFFD880  }
0x1a: {  	[tilespmem:s14], [sflag:$0x2] =	stream.linear.gather [hbm4b:s8+s4], $0x2780, $0x38;
	[tilespmem:$0x1CC00] =	vst v63  }
0x1b: {  	_ =	swait.ge [sflag:s13], $0x2780  }
0x1c: {  	[sflag:s13] =	ssyncset.done $0x0  }
0x1d: {  	[sflag:s13] =	ssyncadd.s32 $0xFFFFD880  }
0x1e: {  	s21 =	simm.s32 $0x0;
	[bflag:$0x0] =	sbarrier.arrive $0xFFFF  }
0x1f: {  	[tilespmem:s16], [sflag:$0x1] =	stream.indirect.gather [hbm4b:s1+s15], $0x80, s21, s15, $0xb8;
	[tilespmem:$0x1CC00] =	vst v63  }
0x20: {  	_ =	swait.ge [sflag:s17], $0x4000  }
0x21: {  	[sflag:s17] =	ssyncset.done $0x0  }
0x22: {  	s31 =	simm.s32 $0x2800;
	[sflag:s17] =	ssyncadd.s32 $0xFFFFC000  }
0x23: {  	[spmem:s3] =	stream.indirect.scatter.add.f32 [tilespmem:s16], [sflag:$0x2], $0x80, s31, s15, $0xb8;
	[tilespmem:$0x1CC00] =	vst v63  }
0x24: {  	_ =	swait.ge [sflag:s13], $0x4000  }
0x25: {  	s22 =	simm.s32 $0x400;
	s21 =	simm.s32 $0x200;
	[sflag:s13] =	ssyncset.done $0x0  }
.LBB2_2:
0x26: {  	s23 =	sshra.s32 s21, $0x2  }
0x27: {  	[sflag:s13] =	ssyncadd.s32 $0xFFFFC000;
	s21 =	smov.u32 s22;
	s24 =	sadd.s32 $0x200, s22  }
0x28: {  	[tilespmem:s16], [sflag:$0x1] =	stream.indirect.gather [hbm4b:s1+s15], $0x80, s23, s15, $0xb8;
	[tilespmem:$0x1CC00] =	vst v63  }
0x29: {  	p1 =	sne.s32 s22, $0x9C00;
	_ =	swait.ge [sflag:s17], $0x4000  }
.Ltmp0:
0x2a: {  	[sflag:s17] =	ssyncset.done $0x0;
	(pc) =	sbr.rel @p1 .LBB2_2-.Ltmp0, $4  }
0x2b: {  	s22 =	sadd.s32 $0x2800, s23;
	[sflag:s17] =	ssyncadd.s32 $0xFFFFC000  }
0x2c: {  	[spmem:s3] =	stream.indirect.scatter.add.f32 [tilespmem:s16], [sflag:$0x2], $0x80, s22, s15, $0xb8;
	[tilespmem:$0x1CC00] =	vst v63  }
0x2d: {  	_ =	swait.ge [sflag:s13], $0x4000  }
0x2e: {  	s22 =	smov.u32 s24;
	[sflag:s13] =	ssyncset.done $0x0  }
0x2f: {  	s21 =	sshra.s32 s21, $0x2;
	[sflag:s13] =	ssyncadd.s32 $0xFFFFC000  }
0x30: {  	[tilespmem:s16], [sflag:$0x1] =	stream.indirect.gather [hbm4b:s1+s15], $0x80, s21, s15, $0xb8;
	[tilespmem:$0x1CC00] =	vst v63  }
0x31: {  	_ =	swait.ge [sflag:s17], $0x4000  }
0x32: {  	[sflag:s17] =	ssyncset.done $0x0  }
0x33: {  	s21 =	sadd.s32 $0x2800, s21;
	[sflag:s17] =	ssyncadd.s32 $0xFFFFC000  }
0x34: {  	[spmem:s3] =	stream.indirect.scatter.add.f32 [tilespmem:s16], [sflag:$0x2], $0x80, s21, s15, $0xb8;
	[tilespmem:$0x1CC00] =	vst v63  }
0x35: {  	_ =	swait.ge [sflag:s13], $0x4000  }
0x36: {  	[sflag:s13] =	ssyncset.done $0x0  }
0x37: {  	[sflag:s13] =	ssyncadd.s32 $0xFFFFC000  }
0x38: {  	s21 =	simm.s32 @p0 $0x2;
	[bflag:$0x0] =	sbarrier.arrive $0xFFFF  }
0x39: {  	[hbm:s10], [sflag:s6] =	dma.local @p0 [spmem:s18], $0x2080  }
0x3a: {  	s20 =	sadd.s32 $0x1, s20;
	_ =	swait.ge @p0 [sflag:s21], $0x2080  }
0x3b: {  	p1 =	sne.s32 s20, s11;
	[sflag:s21] =	ssyncset.done @p0 $0x0  }
.Ltmp1:
0x3c: {  	[sflag:s21] =	ssyncadd.s32 @p0 $0xFFFFDF80;
	s21 =	simm.s32 @!p0 $0x2;
	(pc) =	sbr.rel @p1 .LBB2_1-.Ltmp1, $4  }
0x3d: {  	[hbm:s9], [sflag:s6] =	dma.local @!p0 [spmem:s19], $0x2780  }
0x3e: {  	_ =	swait.ge @!p0 [sflag:s21], $0x2780  }
0x3f: {  	[sflag:s21] =	ssyncset.done @!p0 $0x0  }
0x40: {  	[sflag:s21] =	ssyncadd.s32 @!p0 $0xFFFFD880  }
0x41: {  	_ =	sfence.sel $0x180000  }
0x42: {  	[bflag:$0x0] =	sbarrier.arrive $0xFFFF  }
0x43: {  	p0 =	sne.s32 s0, $0x0;
	_ =	strace $0x9000004D  }
0x44: {  	s0 =	sadd.s32 @!p0 $0x100000, s2;
	[bflag:$0x2] =	sbarrier.arrive $0xFFFF  }
0x45: {  	[sflag:s0] =	ssyncadd.tile.s32 @!p0 $0x1;
	_ =	shalt  }
.Lfunc_end2:
_tile_overlayer_lowered:
.L_overlay_start_2:
0x46: {  	(tag) =	ssettag $0x2  }
0x47: {  	s0 =	rddreg [dreg:$0x0];
	s2 =	stileid.u32  }
0x48: {  	s1 =	rddreg [dreg:$0x1];
	p0 =	sne.s32 s2, $0x0  }
0x49: {  	s3 =	rddreg [dreg:$0x2];
	[bflag:$0x3] =	sbarrier.arrive $0xFFFF;
	s2 =	simm.s32 @!p0 $0x1C02  }
0x4a: {  	[timem:s3], [sflag:s2] =	dma.local @!p0 [hbm:s0], s1  }
0x4b: {  	s0 =	simm.s32 @!p0 $0x2  }
0x4c: {  	_ =	swait.ge @!p0 [sflag:s0], s1  }
0x4d: {  	s1 =	ssub.s32 @!p0 $0x0, s1;
	[sflag:s0] =	ssyncset.done @!p0 $0x0  }
0x4e: {  	[sflag:s0] =	ssyncadd.s32 @!p0 s1  }
0x4f: {  	[bflag:$0x3] =	sbarrier.arrive $0xFFFF  }
0x50: {  	_ =	shalt  }

// kernel: kernel.8.cloned.1.call-start
scs
__scs_entry_jumppad:
0x0: {  	(pc) =	sbr.rel $0x88, $3  }
0x1: {  	(tag) =	ssettag $0x0;
	lr =	simm.s32 $0x1  }
0x2: {  	[smem:$0x3F8A] =	sst lr;
	_ =	strace $0xD0000000  }
0x3: {  	_ = 	snop  }
0x4: {  	_ = 	snop  }
0x5: {  	_ = 	snop  }
0x6: {  	_ = 	snop  }
0x7: {  	_ = 	snop  }
__scs_overlays_trampoline_lowered:
0x8: {  	[smem:$0x3F99] =	sst s0  }
0x9: {  	[smem:$0x3F9A] =	sst s1  }
0xa: {  	[smem:$0x3F9B] =	sst s2  }
0xb: {  	[smem:$0x3F9C] =	sst s3  }
0xc: {  	[smem:$0x3F9D] =	sst s4  }
0xd: {  	[smem:$0x3F9E] =	sst s5  }
0xe: {  	[smem:$0x3F9F] =	sst s6  }
0xf: {  	[smem:$0x3FA0] =	sst s7  }
0x10: {  	[smem:$0x3FA1] =	sst s8  }
0x11: {  	[smem:$0x3FA2] =	sst s9;
	s0 =	simm.s32 @!p0 $0x0  }
0x12: {  	s1 =	sld [smem:$0x3F88];
	s0 =	simm.s32 @p0 $0x1  }
0x13: {  	[smem:$0x3FA3] =	sst s0;
	s0 =	simm.s32 @!p1 $0x0  }
0x14: {  	s2 =	sld [smem:$0x3F87];
	s0 =	simm.s32 @p1 $0x1  }
0x15: {  	[smem:$0x3FA4] =	sst s0;
	s0 =	simm.s32 @!p2 $0x0  }
0x16: {  	s3 =	sld [smem:$0x3FDB];
	s0 =	simm.s32 @p2 $0x1  }
0x17: {  	s4 =	simm.s32 $0x1BF5;
	[smem:$0x3FA6] =	sst s0  }
0x18: {  	s0 =	sld [smem:$0x3F89];
	_ =	swait.ge [sflag:s4], $0x0  }
0x19: {  	s7 =	sld [smem:$0x3F8A]  }
0x1a: {  	s8 =	sadd.s32 $0xFFFFE003, lr  }
0x1b: {  	s9 =	sadd.s32 $0xFFFFFEF7, lr;
	s5 =	simm.s32 $0xFFFFFFFF;
	p2 =	slt.u32 s8, $0xFFFFF086  }
0x1c: {  	p1 =	slt.u32 s9, $0xF7A;
	s5 =	simm.s32 @!p2 $0x0  }
0x1d: {  	s5 =	simm.s32 @p1 $0x1;
	p0 =	seq.s32 s7, s2  }
0x1e: {  	s7 =	smul.u32 @!p0 $0xF7A, s2;
	p2 =	seq.s32 @!p0 s5, $0x0  }
0x1f: {  	s9 =	smul.u32 $0xF7A, s1;
	s8 =	simm.s32 @!p0 $0x1BF5;
	p2 =	por !p2, p0  }
0x20: {  	[sflag:s8] =	ssyncset.s32 @!p0 $0xFFFFF086;
	s6 =	sadd.s32 @!p0 s3, s7;
	s7 =	simm.s32 @!p0 $0x108  }
0x21: {  	s3 =	sadd.s32 s3, s9;
	s6 =	sadd.s32 @!p0 $0x88, s6;
	s7 =	simm.s32 @p2 $0x1082  }
0x22: {  	[simem:s7], [sflag:s8] =	dma.local @!p0 [hbm:s6], $0xF7A  }
0x23: {  	s9 =	sor.u32 $0xD0000000, s2;
	s6 =	simm.s32 $0x108;
	_ =	swait.ge @!p0 [sflag:s8], $0x0  }
0x24: {  	s3 =	sadd.s32 $0x88, s3;
	s6 =	simm.s32 @!p1 $0x1082;
	[sflag:s4] =	ssyncset.s32 $0xFFFFF086  }
0x25: {  	[simem:s6], [sflag:s4] =	dma.local [hbm:s3], $0xF7A  }
0x26: {  	[smem:$0x3F8A] =	sst s1;
	(tag) =	ssettag s2;
	_ =	strace s9  }
0x27: {  	s1 =	sld [smem:$0x3F9A]  }
0x28: {  	s2 =	sld [smem:$0x3F9B]  }
0x29: {  	s4 =	sld [smem:$0x3F9D]  }
0x2a: {  	p0 =	seq.s32 s5, $0x0;
	s5 =	sld [smem:$0x3F9E]  }
0x2b: {  	s6 =	sld [smem:$0x3F9F]  }
0x2c: {  	s7 =	sld [smem:$0x3FA0]  }
0x2d: {  	s3 =	simm.s32 $0x108;
	s8 =	sld [smem:$0x3FA1]  }
0x2e: {  	s3 =	simm.s32 @!p0 $0x1082;
	s9 =	sld [smem:$0x3FA2]  }
0x2f: {  	lr =	sadd.s32 s0, s3;
	s0 =	sld [smem:$0x3F99]  }
0x30: {  	s3 =	sld [smem:$0x3F9C]  }
0x31: {  	[smem:$0x3FA5] =	sst s10  }
0x32: {  	s10 =	sld [smem:$0x3FA3];
	_ =	sdelay $0x3  }
0x33: {  	p0 =	seq.s32 s10, $0x1;
	s10 =	sld [smem:$0x3FA5];
	_ =	sdelay $0x3  }
0x34: {  	[smem:$0x3FA5] =	sst s10  }
0x35: {  	s10 =	sld [smem:$0x3FA4];
	_ =	sdelay $0x3  }
0x36: {  	p1 =	seq.s32 s10, $0x1;
	s10 =	sld [smem:$0x3FA5];
	_ =	sdelay $0x3  }
0x37: {  	[smem:$0x3FA5] =	sst s10  }
0x38: {  	s10 =	sld [smem:$0x3FA6]  }
0x39: {  	_ = 	snop;
	(pc) =	sbr.ind lr, $3  }
0x3a: {  	_ = 	snop  }
0x3b: {  	_ = 	snop  }
0x3c: {  	p2 =	seq.s32 s10, $0x1;
	s10 =	sld [smem:$0x3FA5]  }
0x3d: {  	_ =	shalt  }
0x3e: {  	_ =	shalt  }
0x3f: {  	_ =	shalt  }
0x40: {  	_ =	shalt  }
0x41: {  	_ =	shalt  }
0x42: {  	_ =	shalt  }
0x43: {  	_ =	shalt  }
0x44: {  	_ =	shalt  }
0x45: {  	_ =	shalt  }
0x46: {  	_ =	shalt  }
0x47: {  	_ =	shalt  }
0x48: {  	_ =	shalt  }
0x49: {  	_ =	shalt  }
0x4a: {  	_ =	shalt  }
0x4b: {  	_ =	shalt  }
0x4c: {  	_ =	shalt  }
0x4d: {  	_ =	shalt  }
0x4e: {  	_ =	shalt  }
0x4f: {  	_ =	shalt  }
0x50: {  	_ =	shalt  }
0x51: {  	_ =	shalt  }
0x52: {  	_ =	shalt  }
0x53: {  	_ =	shalt  }
0x54: {  	_ =	shalt  }
0x55: {  	_ =	shalt  }
0x56: {  	_ =	shalt  }
0x57: {  	_ =	shalt  }
0x58: {  	_ =	shalt  }
0x59: {  	_ =	shalt  }
0x5a: {  	_ =	shalt  }
0x5b: {  	_ =	shalt  }
0x5c: {  	_ =	shalt  }
0x5d: {  	_ =	shalt  }
0x5e: {  	_ =	shalt  }
0x5f: {  	_ =	shalt  }
0x60: {  	_ =	shalt  }
0x61: {  	_ =	shalt  }
0x62: {  	_ =	shalt  }
0x63: {  	_ =	shalt  }
0x64: {  	_ =	shalt  }
0x65: {  	_ =	shalt  }
0x66: {  	_ =	shalt  }
0x67: {  	_ =	shalt  }
0x68: {  	_ =	shalt  }
0x69: {  	_ =	shalt  }
0x6a: {  	_ =	shalt  }
0x6b: {  	_ =	shalt  }
0x6c: {  	_ =	shalt  }
0x6d: {  	_ =	shalt  }
0x6e: {  	_ =	shalt  }
0x6f: {  	_ =	shalt  }
0x70: {  	_ =	shalt  }
0x71: {  	_ =	shalt  }
0x72: {  	_ =	shalt  }
0x73: {  	_ =	shalt  }
0x74: {  	_ =	shalt  }
0x75: {  	_ =	shalt  }
0x76: {  	_ =	shalt  }
0x77: {  	_ =	shalt  }
0x78: {  	_ =	shalt  }
0x79: {  	_ =	shalt  }
0x7a: {  	_ =	shalt  }
0x7b: {  	_ =	shalt  }
0x7c: {  	_ =	shalt  }
0x7d: {  	_ =	shalt  }
0x7e: {  	_ =	shalt  }
0x7f: {  	_ =	shalt  }
0x80: {  	_ =	shalt  }
0x81: {  	_ =	shalt  }
0x82: {  	_ =	shalt  }
0x83: {  	_ =	shalt  }
0x84: {  	_ =	shalt  }
0x85: {  	_ =	shalt  }
0x86: {  	_ =	shalt  }
0x87: {  	_ =	shalt  }
.Lfunc_end0:
.L_simem_size_0:
called_computation_lowered:
.L_overlay_start_0:
0x88: {  	s2 =	sld [smem:$0x3FD9]  }
0x89: {  	s3 =	sld [smem:$0x3FFE];
	_ =	sdelay $0x1  }
0x8a: {  	s1 =	srdreg.scid  }
0x8b: {  	s0 =	sand.u32 $0x1, s1  }
0x8c: {  	s17 =	sshll.u32 s0, $0xA;
	s2 =	sadd.s32 s3, s2  }
0x8d: {  	s2 =	sadd.s32 s2, s17  }
0x8e: {  	[smem:$0x3FB1] =	sst s2  }
0x8f: {  	_ = 	snop  }
0x90: {  	s2 =	sld [smem:$0x3FC9];
	(tm) =	ssettm $0x1  }
0x91: {  	s18 =	sld [smem:$0x3FFB];
	_ =	sdelay $0x3  }
0x92: {  	_ =	strace s18  }
0x93: {  	s3 =	sld [smem:$0x3FFC];
	_ =	sdelay $0x3  }
0x94: {  	_ =	strace s3  }
0x95: {  	s3 =	sld [smem:$0x3FFD];
	_ =	sdelay $0x3  }
0x96: {  	_ =	strace s3  }
0x97: {  	_ =	strace $0x8FFFFFFF  }
0x98: {  	s19 =	sld [smem:$0x3FDB];
	_ =	sdelay $0x1  }
0x99: {  	s4 =	simm.s32 $_scs_section_size  }
0x9a: {  	s5 =	simm.s32 $_size__tile_overlayer_lowered;
	s6 =	simm.s32 $_tile_overlayer_lowered  }
0x9b: {  	s22 =	simm.s32 $0x1BFF;
	s21 =	sshll.u32 s6, $0x1;
	s3 =	sadd.s32 s4, s19  }
0x9c: {  	s7 =	simm.s32 $0x0;
	s20 =	sshll.u32 s5, $0x1;
	s5 =	sadd.s32 s21, s3  }
0x9d: {  	[timem:s7], [sflag:s22] =	dma.local [hbm:s5], s20  }
0x9e: {  	_ =	swait.ge [sflag:s22], s20  }
0x9f: {  	s4 =	ssub.s32 $0x0, s20;
	[sflag:s22] =	ssyncset.done $0x0  }
0xa0: {  	[sflag:s22] =	ssyncadd.s32 s4;
	_ =	sdelay $0x1  }
0xa1: {  	s23 =	simm.s32 $0x1B8B  }
0xa2: {  	_ =	swait.ge [sflag:s23], $0x1  }
0xa3: {  	[sflag:s23] =	ssyncset.done $0x0  }
0xa4: {  	s25 =	simm.s32 $0x1B8E;
	s24 =	sld [smem:$0x3FFE];
	[sflag:s23] =	ssyncadd.s32 $0xFFFFFFFF  }
0xa5: {  	s26 =	simm.s32 $execute0_lowered;
	[smem:$0x3FD2] =	sst s25  }
0xa6: {  	s5 =	sshll.u32 s26, $0x1;
	_ =	strace $0x80000046;
	[dreg:$0x1] =	wrdreg $0xFFFFFFFF  }
0xa7: {  	s28 =	simm.s32 $_size_execute0_lowered;
	s3 =	sadd.s32 s3, s5;
	[dreg:$0x0] =	wrdreg $0x0  }
0xa8: {  	s5 =	sshll.u32 s28, $0x1;
	[dreg:$0x2] =	wrdreg s3  }
0xa9: {  	[dreg:$0x3] =	wrdreg s5  }
0xaa: {  	[dreg:$0x4] =	wrdreg $0xC0  }
0xab: {  	_ =	task [dreg:s7], $0x5FFFF  }
0xac: {  	[dreg:$0x1] =	wrdreg $0xFFFFFFFF  }
0xad: {  	[dreg:$0x0] =	wrdreg $0x60  }
0xae: {  	[dreg:$0x2] =	wrdreg s2  }
0xaf: {  	[dreg:$0x3] =	wrdreg s24  }
0xb0: {  	[dreg:$0x4] =	wrdreg $0x90000  }
0xb1: {  	[dreg:$0x5] =	wrdreg $0x9  }
0xb2: {  	_ =	task.clear_ibuf [dreg:s7], $0x6FFFF;
	_ =	strace $0x90000046  }
0xb3: {  	s29 =	simm.s32 $0x9;
	_ =	strace $0x80000048  }
0xb4: {  	_ =	swait.ge [sflag:s29], $0x1  }
0xb5: {  	[sflag:s29] =	ssyncadd.s32 $0xFFFFFFFF  }
0xb6: {  	_ =	strace $0x90000048  }
0xb7: {  	_ =	sfence  }
0xb8: {  	s30 =	sld [smem:$0x0];
	_ =	sdelay $0x2  }
0xb9: {  	s31 =	sshll.u32 s1, $0xD;
	s1 =	sshrl.u32 s1, $0x2  }
0xba: {  	s3 =	sand.u32 $0x4000, s31;
	s1 =	sadd.s32 s1, s30  }
0xbb: {  	s0 =	sor.u32 s3, s0;
	s1 =	sshll.u32 s1, $0x11  }
0xbc: {  	s0 =	sor.u32 s1, s0  }
0xbd: {  	s0 =	sadd.s32 $0x8F2B, s0  }
0xbe: {  	[sflag:s0] =	ssyncadd.remote.s32 $0x1  }
0xbf: {  	_ =	sfence.sel $0xFFFF  }
0xc0: {  	[dreg:$0x0] =	wrdreg $0xFFFFFFFF;
	(pc) =	sbr.abs _section_cstart, $3  }
0xc1: {  	[dreg:$0x1] =	wrdreg $0xFFFFFFFF  }
0xc2: {  	_ =	task.clear_ibuf [dreg:s7], $0x2FFFF;
	_ =	strace $0x9FFFFFFF  }
0xc3: {  	(tm) =	ssettm $0x7FFFFFFF  }
tec
execute0_lowered:
.L_overlay_start_1:
0x0: {  	(tag) =	ssettag $0x1  }
0x1: {  	s1 =	rddreg [dreg:$0x0]  }
0x2: {  	s0 =	srdreg.scid;
	s6 =	rddreg [dreg:$0x1]  }
0x3: {  	s3 =	rddreg [dreg:$0x2];
	s4 =	simm.s32 $0x0;
	s14 =	simm.s32 $0x2800  }
0x4: {  	s15 =	simm.s32 $0x80;
	s16 =	simm.s32 $0x5000;
	s17 =	simm.s32 $0x1  }
0x5: {  	s20 =	simm.s32 $0x0;
	s5 =	sand.u32 $0x1, s0;
	s0 =	stileid.u32  }
0x6: {  	[smem:$0x7FF] =	sst s4;
	s12 =	sadd.s32 $0x3FC00, s6;
	s8 =	smul.u32 $0x13C00, s0  }
0x7: {  	s18 =	sadd.s32 $0x128400, s3;
	s2 =	sshll.u32 s5, $0x4;
	s11 =	smul.u32 $0x4F000, s0  }
0x8: {  	s10 =	ssub.s32 $0x2, s5;
	s29 =	smul.u32 $0x138800, s5;
	s30 =	sshll.u32 s0, $0x6  }
0x9: {  	p0 =	seq.s32 s0, $0xF;
	s7 =	sor.u32 s0, s2;
	s2 =	rddreg [dreg:$0x3]  }
0xa: {  	_ =	strace $0x80000047;
	s26 =	sshrl.u32 s10, $0x1;
	s18 =	sshrl.u32 @p0 s18, $0x3  }
0xb: {  	s7 =	smul.u32 $0x500, s7;
	s25 =	sshrl.u32 s8, $0x3;
	s13 =	ssub.s32 s10, s26  }
0xc: {  	s28 =	sshrl.u32 s11, $0x2;
	s8 =	sadd.s32 s8, s29;
	s10 =	sshrl.u32 s29, $0x3  }
0xd: {  	s19 =	sadd.s32 s28, s3;
	s31 =	sshrl.u32 s8, $0x3;
	s10 =	sadd.s32 s12, s10  }
0xe: {  	s11 =	smax.u32 s13, $0x1;
	s13 =	simm.s32 $0x2;
	s9 =	sadd.s32 s7, s6  }
0xf: {  	s7 =	sadd.s32 s25, s6;
	s6 =	sor.u32 $0x1C02, s30;
	s10 =	sadd.s32 $0x25080, s10  }
0x10: {  	s5 =	sadd.s32 $0x18400, s7;
	s7 =	sadd.s32 $0xE400, s9;
	s8 =	sadd.s32 $0x4400, s9  }
0x11: {  	s9 =	sadd.s32 s12, s31;
	s12 =	sshrl.u32 s19, $0x3;
	s19 =	sshrl.u32 @!p0 s19, $0x3  }
.LBB2_1:
0x12: {  	[spmem:s12], [sflag:s6] =	dma.local [hbm:s5], $0x2780  }
0x13: {  	_ =	swait.ge [sflag:s13], $0x2780  }
0x14: {  	[sflag:s13] =	ssyncset.done $0x0  }
0x15: {  	[sflag:s13] =	ssyncadd.s32 $0xFFFFD880  }
0x16: {  	[tilespmem:s4], [sflag:$0x2] =	stream.linear.gather [hbm4b:s7+s4], $0x2780, $0x38;
	[tilespmem:$0x1CC00] =	vst v63  }
0x17: {  	_ =	swait.ge [sflag:s13], $0x2780  }
0x18: {  	[sflag:s13] =	ssyncset.done $0x0  }
0x19: {  	[sflag:s13] =	ssyncadd.s32 $0xFFFFD880  }
0x1a: {  	[tilespmem:s14], [sflag:$0x2] =	stream.linear.gather [hbm4b:s8+s4], $0x2780, $0x38;
	[tilespmem:$0x1CC00] =	vst v63  }
0x1b: {  	_ =	swait.ge [sflag:s13], $0x2780  }
0x1c: {  	[sflag:s13] =	ssyncset.done $0x0  }
0x1d: {  	[sflag:s13] =	ssyncadd.s32 $0xFFFFD880  }
0x1e: {  	s21 =	simm.s32 $0x0;
	[bflag:$0x0] =	sbarrier.arrive $0xFFFF  }
0x1f: {  	[tilespmem:s16], [sflag:$0x1] =	stream.indirect.gather [hbm4b:s1+s15], $0x80, s21, s15, $0xb8;
	[tilespmem:$0x1CC00] =	vst v63  }
0x20: {  	_ =	swait.ge [sflag:s17], $0x4000  }
0x21: {  	[sflag:s17] =	ssyncset.done $0x0  }
0x22: {  	s31 =	simm.s32 $0x2800;
	[sflag:s17] =	ssyncadd.s32 $0xFFFFC000  }
0x23: {  	[spmem:s3] =	stream.indirect.scatter.add.f32 [tilespmem:s16], [sflag:$0x2], $0x80, s31, s15, $0xb8;
	[tilespmem:$0x1CC00] =	vst v63  }
0x24: {  	_ =	swait.ge [sflag:s13], $0x4000  }
0x25: {  	s22 =	simm.s32 $0x400;
	s21 =	simm.s32 $0x200;
	[sflag:s13] =	ssyncset.done $0x0  }
.LBB2_2:
0x26: {  	s23 =	sshra.s32 s21, $0x2  }
0x27: {  	[sflag:s13] =	ssyncadd.s32 $0xFFFFC000;
	s21 =	smov.u32 s22;
	s24 =	sadd.s32 $0x200, s22  }
0x28: {  	[tilespmem:s16], [sflag:$0x1] =	stream.indirect.gather [hbm4b:s1+s15], $0x80, s23, s15, $0xb8;
	[tilespmem:$0x1CC00] =	vst v63  }
0x29: {  	p1 =	sne.s32 s22, $0x9C00;
	_ =	swait.ge [sflag:s17], $0x4000  }
.Ltmp0:
0x2a: {  	[sflag:s17] =	ssyncset.done $0x0;
	(pc) =	sbr.rel @p1 .LBB2_2-.Ltmp0, $4  }
0x2b: {  	s22 =	sadd.s32 $0x2800, s23;
	[sflag:s17] =	ssyncadd.s32 $0xFFFFC000  }
0x2c: {  	[spmem:s3] =	stream.indirect.scatter.add.f32 [tilespmem:s16], [sflag:$0x2], $0x80, s22, s15, $0xb8;
	[tilespmem:$0x1CC00] =	vst v63  }
0x2d: {  	_ =	swait.ge [sflag:s13], $0x4000  }
0x2e: {  	s22 =	smov.u32 s24;
	[sflag:s13] =	ssyncset.done $0x0  }
0x2f: {  	s21 =	sshra.s32 s21, $0x2;
	[sflag:s13] =	ssyncadd.s32 $0xFFFFC000  }
0x30: {  	[tilespmem:s16], [sflag:$0x1] =	stream.indirect.gather [hbm4b:s1+s15], $0x80, s21, s15, $0xb8;
	[tilespmem:$0x1CC00] =	vst v63  }
0x31: {  	_ =	swait.ge [sflag:s17], $0x4000  }
0x32: {  	[sflag:s17] =	ssyncset.done $0x0  }
0x33: {  	s21 =	sadd.s32 $0x2800, s21;
	[sflag:s17] =	ssyncadd.s32 $0xFFFFC000  }
0x34: {  	[spmem:s3] =	stream.indirect.scatter.add.f32 [tilespmem:s16], [sflag:$0x2], $0x80, s21, s15, $0xb8;
	[tilespmem:$0x1CC00] =	vst v63  }
0x35: {  	_ =	swait.ge [sflag:s13], $0x4000  }
0x36: {  	[sflag:s13] =	ssyncset.done $0x0  }
0x37: {  	[sflag:s13] =	ssyncadd.s32 $0xFFFFC000  }
0x38: {  	s21 =	simm.s32 @p0 $0x2;
	[bflag:$0x0] =	sbarrier.arrive $0xFFFF  }
0x39: {  	[hbm:s10], [sflag:s6] =	dma.local @p0 [spmem:s18], $0x2080  }
0x3a: {  	s20 =	sadd.s32 $0x1, s20;
	_ =	swait.ge @p0 [sflag:s21], $0x2080  }
0x3b: {  	p1 =	sne.s32 s20, s11;
	[sflag:s21] =	ssyncset.done @p0 $0x0  }
.Ltmp1:
0x3c: {  	[sflag:s21] =	ssyncadd.s32 @p0 $0xFFFFDF80;
	s21 =	simm.s32 @!p0 $0x2;
	(pc) =	sbr.rel @p1 .LBB2_1-.Ltmp1, $4  }
0x3d: {  	[hbm:s9], [sflag:s6] =	dma.local @!p0 [spmem:s19], $0x2780  }
0x3e: {  	_ =	swait.ge @!p0 [sflag:s21], $0x2780  }
0x3f: {  	[sflag:s21] =	ssyncset.done @!p0 $0x0  }
0x40: {  	[sflag:s21] =	ssyncadd.s32 @!p0 $0xFFFFD880  }
0x41: {  	_ =	sfence.sel $0x180000  }
0x42: {  	[bflag:$0x0] =	sbarrier.arrive $0xFFFF  }
0x43: {  	p0 =	sne.s32 s0, $0x0;
	_ =	strace $0x90000047  }
0x44: {  	s0 =	sadd.s32 @!p0 $0x100000, s2;
	[bflag:$0x2] =	sbarrier.arrive $0xFFFF  }
0x45: {  	[sflag:s0] =	ssyncadd.tile.s32 @!p0 $0x1;
	_ =	shalt  }
.Lfunc_end2:
_tile_overlayer_lowered:
.L_overlay_start_2:
0x46: {  	(tag) =	ssettag $0x2  }
0x47: {  	s0 =	rddreg [dreg:$0x0];
	s2 =	stileid.u32  }
0x48: {  	s1 =	rddreg [dreg:$0x1];
	p0 =	sne.s32 s2, $0x0  }
0x49: {  	s3 =	rddreg [dreg:$0x2];
	[bflag:$0x3] =	sbarrier.arrive $0xFFFF;
	s2 =	simm.s32 @!p0 $0x1C02  }
0x4a: {  	[timem:s3], [sflag:s2] =	dma.local @!p0 [hbm:s0], s1  }
0x4b: {  	s0 =	simm.s32 @!p0 $0x2  }
0x4c: {  	_ =	swait.ge @!p0 [sflag:s0], s1  }
0x4d: {  	s1 =	ssub.s32 @!p0 $0x0, s1;
	[sflag:s0] =	ssyncset.done @!p0 $0x0  }
0x4e: {  	[sflag:s0] =	ssyncadd.s32 @!p0 s1  }
0x4f: {  	[bflag:$0x3] =	sbarrier.arrive $0xFFFF  }
0x50: {  	_ =	shalt  }

</sc_bundles>
